<compile_context>
chip_gen: v7x
topology: tpu7x:2x2x1
jax: 0.10.2.dev20260603
libtpu: 0.0.44.dev20260713+nightly
codegen_flags: <defaults>
</compile_context>

<pallas_src>
import functools
import math

import numpy as np

import jax
import jax.numpy as jnp
from jax import lax
from jax.experimental import pallas as pl
from jax.experimental.pallas import tpu as pltpu
from jax.experimental.pallas import tpu_sc as plsc

T, B, C = 1024, 128, 768
REMAIN_T = T // 2


def _host_indexes():
    side = int(math.sqrt(T))
    rng = np.random.RandomState(0)
    rands = rng.randint(0, 2, size=B)
    fwd = np.empty((T, B), np.int32)
    bwd = np.empty((T, B), np.int32)
    base = np.arange(T).reshape(side, side)
    for b in range(B):
        if rands[b] == 0:
            fi = np.concatenate((base[0::2, :], base[1::2, :])).reshape(-1)
        else:
            fi = np.concatenate((base[1::2, :], base[0::2, :])).reshape(-1)
        fwd[:, b] = fi
        bwd[:, b] = np.argsort(fi)
    return fwd, bwd


_FWD, _BWD = _host_indexes()
_SRC = (_FWD[:REMAIN_T, :].astype(np.int64) * B
        + np.arange(B)[None, :]).astype(np.int32).reshape(-1)

_NW = 32
_ROWS = REMAIN_T * B
_RPW = _ROWS // _NW
_K = 32
_CHUNKS = _RPW // _K
_NBUF = 4
_D = 2

_mesh = plsc.VectorSubcoreMesh(core_axis_name="c", subcore_axis_name="s")


@functools.partial(
    pl.kernel,
    mesh=_mesh,
    out_type=jax.ShapeDtypeStruct((_ROWS, C), jnp.float32),
    scratch_types=[
        pltpu.VMEM((_CHUNKS, _K), jnp.int32),
    ]
    + [pltpu.VMEM((_K, C), jnp.float32)] * _NBUF
    + [pltpu.SemaphoreType.DMA] * (2 * _NBUF),
)
def _gather_rows(table_hbm, src_hbm, out_hbm, idx_v, *bufs_and_sems):
    bufs = bufs_and_sems[:_NBUF]
    gsems = bufs_and_sems[_NBUF:2 * _NBUF]
    wsems = bufs_and_sems[2 * _NBUF:]
    wid = lax.axis_index("s") * 2 + lax.axis_index("c")
    base = wid * _RPW

    pltpu.sync_copy(src_hbm.at[wid], idx_v)

    def start_gather(c, b):
        pltpu.async_copy(table_hbm.at[idx_v.at[c]], bufs[b], gsems[b])

    def wait_gather(c, b):
        pltpu.make_async_copy(table_hbm.at[idx_v.at[c]], bufs[b], gsems[b]).wait()

    def start_write(c, b):
        pltpu.async_copy(bufs[b], out_hbm.at[pl.ds(base + c * _K, _K)], wsems[b])

    def wait_write(c, b):
        pltpu.make_async_copy(bufs[b], out_hbm.at[pl.ds(base + c * _K, _K)],
                              wsems[b]).wait()

    for c in range(_D):
        start_gather(c, c % _NBUF)
    for c in range(_NBUF - _D):
        start_gather(c + _D, (c + _D) % _NBUF)
        wait_gather(c, c % _NBUF)
        start_write(c, c % _NBUF)

    _STEADY0 = _NBUF - _D
    _NSTEADY = (_CHUNKS - _D) - _STEADY0
    assert _NSTEADY % _NBUF == 0

    def body(i, carry):
        for b in range(_NBUF):
            c = _STEADY0 + i * _NBUF + b
            bc = (_STEADY0 + b) % _NBUF
            bf = (_STEADY0 + b + _D) % _NBUF
            wait_write(c + _D - _NBUF, bf)
            start_gather(c + _D, bf)
            wait_gather(c, bc)
            start_write(c, bc)
        return carry

    lax.fori_loop(0, _NSTEADY // _NBUF, body, 0)

    for c in range(_CHUNKS - _D, _CHUNKS):
        wait_gather(c, c % _NBUF)
        start_write(c, c % _NBUF)
    for c in range(_CHUNKS - _NBUF, _CHUNKS):
        wait_write(c, c % _NBUF)


def kernel(patches):
    table = patches.reshape(T * B, C)
    out_flat = _gather_rows(table, jnp.asarray(_SRC.reshape(_NW, _CHUNKS, _K)))
    out = out_flat.reshape(REMAIN_T, B, C)
    return out, jnp.asarray(_FWD), jnp.asarray(_BWD)

# --- scband reference (transcript-rebuilt; emitter-appended) ---
"""Pipeline reference for scband-patch-shuffle-horizontal-12180527252041 (READ-ONLY COPY).

The authoritative reference and input builder live on the scoring server;
editing this copy changes nothing except your own understanding.
"""

import jax, jax.numpy as jnp
import numpy as np
import math


def _horizontal_indexes(size: int, rand: int):
    side = int(math.sqrt(size))
    fi = np.arange(size).reshape(side, side)
    if rand == 0:
        fi = np.concatenate((fi[0::2, :], fi[1::2, :])).reshape(-1)
    else:
        fi = np.concatenate((fi[1::2, :], fi[0::2, :])).reshape(-1)
    bi = np.argsort(fi)
    return fi, bi


def setup_inputs(seed: int = 0) -> dict:
    key = jax.random.key(seed)
    patches = jax.random.normal(key, (1024, 128, 768), dtype=jnp.float32)
    return {"patches": patches}


def reference(patches):
    T, B, C = patches.shape
    remain_T = int(T * (1 - 0.5))
    # per-sample random choice of row-interleave order (seeded for determinism;
    # original uses python random.randint(0, 1) per batch element)
    rng = np.random.RandomState(0)
    rands = rng.randint(0, 2, size=B)
    indexes = [_horizontal_indexes(T, int(r)) for r in rands]
    forward_indexes = jnp.asarray(np.stack([i[0] for i in indexes], axis=-1), dtype=jnp.int32)  # [T, B]
    backward_indexes = jnp.asarray(np.stack([i[1] for i in indexes], axis=-1), dtype=jnp.int32)  # [T, B]
    # take_indexes: gather along token dim with index broadcast over channels
    idx = jnp.broadcast_to(forward_indexes[:, :, None], (T, B, C))
    shuffled = jnp.take_along_axis(patches, idx, axis=0)
    out = shuffled[:remain_T]
    return (out, forward_indexes, backward_indexes)

if __name__ == "__main__":
    import jax
    _d = setup_inputs()
    print(jax.jit(kernel)(*tuple(_d.values())))

</pallas_src>

<mosaic_0001>
#map = affine_map<(d0, d1) -> (0, 0)>
#map1 = affine_map<(d0, d1) -> (0, 0, 0)>
module attributes {stable_mosaic.version = 14 : i64} {
  func.func @_gather_rows(%arg0: i32, %arg1: i32, %arg2: memref<131072x768xf32, #tpu.memory_space<hbm>>, %arg3: memref<32x64x32xi32, #tpu.memory_space<hbm>>, %arg4: memref<65536x768xf32, #tpu.memory_space<hbm>>, %arg5: memref<64x32xi32, #tpu.memory_space<vmem>>, %arg6: memref<32x768xf32, #tpu.memory_space<vmem>>, %arg7: memref<32x768xf32, #tpu.memory_space<vmem>>, %arg8: memref<32x768xf32, #tpu.memory_space<vmem>>, %arg9: memref<32x768xf32, #tpu.memory_space<vmem>>, %arg10: memref<!tpu.dma_semaphore, #tpu.memory_space<semaphore_mem>>, %arg11: memref<!tpu.dma_semaphore, #tpu.memory_space<semaphore_mem>>, %arg12: memref<!tpu.dma_semaphore, #tpu.memory_space<semaphore_mem>>, %arg13: memref<!tpu.dma_semaphore, #tpu.memory_space<semaphore_mem>>, %arg14: memref<!tpu.dma_semaphore, #tpu.memory_space<semaphore_mem>>, %arg15: memref<!tpu.dma_semaphore, #tpu.memory_space<semaphore_mem>>, %arg16: memref<!tpu.dma_semaphore, #tpu.memory_space<semaphore_mem>>, %arg17: memref<!tpu.dma_semaphore, #tpu.memory_space<semaphore_mem>>) attributes {dimension_semantics = [#tpu.dimension_semantics<core_parallel>, #tpu.dimension_semantics<subcore_parallel>], iteration_bounds = array<i64: 2, 16>, scalar_prefetch = 0 : i64, scratch_operands = 13 : i64, tpu.core_type = #tpu.core_type<sc_vector_subcore>, window_params = [{transform_indices = #map}, {transform_indices = #map1}, {transform_indices = #map}]} {
    %mul3A = arith.constant 2 : i32
    %mul3A_0 = arith.muli %arg1, %mul3A : i32
    %add3A = arith.addi %mul3A_0, %arg0 : i32
    %mul3A_1 = arith.constant 2048 : i32
    %mul3A_2 = arith.muli %add3A, %mul3A_1 : i32
    "tpu.region"() ({
      %run_scoped3A = tpu.sem_alloc : memref<!tpu.dma_semaphore, #tpu.memory_space<semaphore_mem>>
      %dma_start3A_110 = arith.constant 0 : i32
      %dma_start3A_111 = arith.constant 0 : i32
      %dma_start3A_112 = tpu.memref_slice %arg3[%add3A, %dma_start3A_110, %dma_start3A_111] : memref<32x64x32xi32, #tpu.memory_space<hbm>> -> memref<1x64x32xi32, #tpu.memory_space<hbm>>
      %dma_start3A_113 = tpu.memref_squeeze %dma_start3A_112 : memref<1x64x32xi32, #tpu.memory_space<hbm>> -> memref<64x32xi32, #tpu.memory_space<hbm>>
      %dma_start3A_114 = arith.constant 0 : i32
      %dma_start3A_115 = arith.constant 0 : i32
      %dma_start3A_116 = tpu.memref_slice %arg3[%add3A, %dma_start3A_114, %dma_start3A_115] : memref<32x64x32xi32, #tpu.memory_space<hbm>> -> memref<1x64x32xi32, #tpu.memory_space<hbm>>
      %dma_start3A_117 = tpu.memref_squeeze %dma_start3A_116 : memref<1x64x32xi32, #tpu.memory_space<hbm>> -> memref<64x32xi32, #tpu.memory_space<hbm>>
      tpu.enqueue_dma source(%dma_start3A_117 : memref<64x32xi32, #tpu.memory_space<hbm>>) target(%arg5 : memref<64x32xi32, #tpu.memory_space<vmem>>) target_semaphore(%run_scoped3A : memref<!tpu.dma_semaphore, #tpu.memory_space<semaphore_mem>>)
      %dma_wait3A_118 = arith.constant 0 : i32
      %dma_wait3A_119 = arith.constant 0 : i32
      %dma_wait3A_120 = tpu.memref_slice %arg3[%add3A, %dma_wait3A_118, %dma_wait3A_119] : memref<32x64x32xi32, #tpu.memory_space<hbm>> -> memref<1x64x32xi32, #tpu.memory_space<hbm>>
      %dma_wait3A_121 = tpu.memref_squeeze %dma_wait3A_120 : memref<1x64x32xi32, #tpu.memory_space<hbm>> -> memref<64x32xi32, #tpu.memory_space<hbm>>
      %dma_wait3A_122 = arith.constant 0 : i32
      %dma_wait3A_123 = arith.constant 0 : i32
      %dma_wait3A_124 = tpu.memref_slice %arg3[%add3A, %dma_wait3A_122, %dma_wait3A_123] : memref<32x64x32xi32, #tpu.memory_space<hbm>> -> memref<1x64x32xi32, #tpu.memory_space<hbm>>
      %dma_wait3A_125 = tpu.memref_squeeze %dma_wait3A_124 : memref<1x64x32xi32, #tpu.memory_space<hbm>> -> memref<64x32xi32, #tpu.memory_space<hbm>>
      tpu.wait_dma2 semaphore(%run_scoped3A : memref<!tpu.dma_semaphore, #tpu.memory_space<semaphore_mem>>) src(%dma_wait3A_125 : memref<64x32xi32, #tpu.memory_space<hbm>>) dst(%arg5 : memref<64x32xi32, #tpu.memory_space<vmem>>)
      tpu.yield
    }) : () -> ()
    %dma_start3A = arith.constant 0 : i32
    %dma_start3A_3 = arith.constant 0 : i32
    %dma_start3A_4 = tpu.memref_slice %arg5[%dma_start3A, %dma_start3A_3] : memref<64x32xi32, #tpu.memory_space<vmem>> -> memref<1x32xi32, #tpu.memory_space<vmem>>
    %dma_start3A_5 = tpu.memref_squeeze %dma_start3A_4 : memref<1x32xi32, #tpu.memory_space<vmem>> -> memref<32xi32, #tpu.memory_space<vmem>>
    %dma_start3A_6 = arith.constant 0 : i32
    %dma_start3A_7 = arith.constant 0 : i32
    %dma_start3A_8 = tpu.memref_slice %arg2[%dma_start3A_6, %dma_start3A_7] : memref<131072x768xf32, #tpu.memory_space<hbm>> -> memref<131072x768xf32, #tpu.memory_space<hbm>>
    tpu.enqueue_indirect_dma source(%dma_start3A_8 : memref<131072x768xf32, #tpu.memory_space<hbm>>) target(%arg6 : memref<32x768xf32, #tpu.memory_space<vmem>>) offsets(%dma_start3A_5 : memref<32xi32, #tpu.memory_space<vmem>>) semaphore(%arg10 : memref<!tpu.dma_semaphore, #tpu.memory_space<semaphore_mem>>)
    %dma_start3A_9 = arith.constant 1 : i32
    %dma_start3A_10 = arith.constant 0 : i32
    %dma_start3A_11 = tpu.memref_slice %arg5[%dma_start3A_9, %dma_start3A_10] : memref<64x32xi32, #tpu.memory_space<vmem>> -> memref<1x32xi32, #tpu.memory_space<vmem>>
    %dma_start3A_12 = tpu.memref_squeeze %dma_start3A_11 : memref<1x32xi32, #tpu.memory_space<vmem>> -> memref<32xi32, #tpu.memory_space<vmem>>
    %dma_start3A_13 = arith.constant 0 : i32
    %dma_start3A_14 = arith.constant 0 : i32
    %dma_start3A_15 = tpu.memref_slice %arg2[%dma_start3A_13, %dma_start3A_14] : memref<131072x768xf32, #tpu.memory_space<hbm>> -> memref<131072x768xf32, #tpu.memory_space<hbm>>
    tpu.enqueue_indirect_dma source(%dma_start3A_15 : memref<131072x768xf32, #tpu.memory_space<hbm>>) target(%arg7 : memref<32x768xf32, #tpu.memory_space<vmem>>) offsets(%dma_start3A_12 : memref<32xi32, #tpu.memory_space<vmem>>) semaphore(%arg11 : memref<!tpu.dma_semaphore, #tpu.memory_space<semaphore_mem>>)
    %dma_start3A_16 = arith.constant 2 : i32
    %dma_start3A_17 = arith.constant 0 : i32
    %dma_start3A_18 = tpu.memref_slice %arg5[%dma_start3A_16, %dma_start3A_17] : memref<64x32xi32, #tpu.memory_space<vmem>> -> memref<1x32xi32, #tpu.memory_space<vmem>>
    %dma_start3A_19 = tpu.memref_squeeze %dma_start3A_18 : memref<1x32xi32, #tpu.memory_space<vmem>> -> memref<32xi32, #tpu.memory_space<vmem>>
    %dma_start3A_20 = arith.constant 0 : i32
    %dma_start3A_21 = arith.constant 0 : i32
    %dma_start3A_22 = tpu.memref_slice %arg2[%dma_start3A_20, %dma_start3A_21] : memref<131072x768xf32, #tpu.memory_space<hbm>> -> memref<131072x768xf32, #tpu.memory_space<hbm>>
    tpu.enqueue_indirect_dma source(%dma_start3A_22 : memref<131072x768xf32, #tpu.memory_space<hbm>>) target(%arg8 : memref<32x768xf32, #tpu.memory_space<vmem>>) offsets(%dma_start3A_19 : memref<32xi32, #tpu.memory_space<vmem>>) semaphore(%arg12 : memref<!tpu.dma_semaphore, #tpu.memory_space<semaphore_mem>>)
    %dma_wait3A = arith.constant 0 : i32
    %dma_wait3A_23 = arith.constant 0 : i32
    %dma_wait3A_24 = tpu.memref_slice %arg5[%dma_wait3A, %dma_wait3A_23] : memref<64x32xi32, #tpu.memory_space<vmem>> -> memref<1x32xi32, #tpu.memory_space<vmem>>
    %dma_wait3A_25 = tpu.memref_squeeze %dma_wait3A_24 : memref<1x32xi32, #tpu.memory_space<vmem>> -> memref<32xi32, #tpu.memory_space<vmem>>
    %dma_wait3A_26 = arith.constant 0 : i32
    %dma_wait3A_27 = arith.constant 0 : i32
    %dma_wait3A_28 = tpu.memref_slice %arg2[%dma_wait3A_26, %dma_wait3A_27] : memref<131072x768xf32, #tpu.memory_space<hbm>> -> memref<131072x768xf32, #tpu.memory_space<hbm>>
    tpu.wait_indirect_dma semaphore(%arg10 : memref<!tpu.dma_semaphore, #tpu.memory_space<semaphore_mem>>) src(%dma_wait3A_28 : memref<131072x768xf32, #tpu.memory_space<hbm>>) dst(%arg6 : memref<32x768xf32, #tpu.memory_space<vmem>>)
    %add3A_29 = arith.constant 0 : i32
    %add3A_30 = arith.addi %mul3A_2, %add3A_29 : i32
    %dma_start3A_31 = arith.constant 0 : i32
    %dma_start3A_32 = tpu.memref_slice %arg4[%add3A_30, %dma_start3A_31] : memref<65536x768xf32, #tpu.memory_space<hbm>> -> memref<32x768xf32, #tpu.memory_space<hbm>>
    %dma_start3A_33 = arith.constant 0 : i32
    %dma_start3A_34 = tpu.memref_slice %arg4[%add3A_30, %dma_start3A_33] : memref<65536x768xf32, #tpu.memory_space<hbm>> -> memref<32x768xf32, #tpu.memory_space<hbm>>
    tpu.enqueue_dma source(%arg6 : memref<32x768xf32, #tpu.memory_space<vmem>>) target(%dma_start3A_34 : memref<32x768xf32, #tpu.memory_space<hbm>>) target_semaphore(%arg14 : memref<!tpu.dma_semaphore, #tpu.memory_space<semaphore_mem>>)
    %dma_start3A_35 = arith.constant 3 : i32
    %dma_start3A_36 = arith.constant 0 : i32
    %dma_start3A_37 = tpu.memref_slice %arg5[%dma_start3A_35, %dma_start3A_36] : memref<64x32xi32, #tpu.memory_space<vmem>> -> memref<1x32xi32, #tpu.memory_space<vmem>>
    %dma_start3A_38 = tpu.memref_squeeze %dma_start3A_37 : memref<1x32xi32, #tpu.memory_space<vmem>> -> memref<32xi32, #tpu.memory_space<vmem>>
    %dma_start3A_39 = arith.constant 0 : i32
    %dma_start3A_40 = arith.constant 0 : i32
    %dma_start3A_41 = tpu.memref_slice %arg2[%dma_start3A_39, %dma_start3A_40] : memref<131072x768xf32, #tpu.memory_space<hbm>> -> memref<131072x768xf32, #tpu.memory_space<hbm>>
    tpu.enqueue_indirect_dma source(%dma_start3A_41 : memref<131072x768xf32, #tpu.memory_space<hbm>>) target(%arg9 : memref<32x768xf32, #tpu.memory_space<vmem>>) offsets(%dma_start3A_38 : memref<32xi32, #tpu.memory_space<vmem>>) semaphore(%arg13 : memref<!tpu.dma_semaphore, #tpu.memory_space<semaphore_mem>>)
    %dma_wait3A_42 = arith.constant 1 : i32
    %dma_wait3A_43 = arith.constant 0 : i32
    %dma_wait3A_44 = tpu.memref_slice %arg5[%dma_wait3A_42, %dma_wait3A_43] : memref<64x32xi32, #tpu.memory_space<vmem>> -> memref<1x32xi32, #tpu.memory_space<vmem>>
    %dma_wait3A_45 = tpu.memref_squeeze %dma_wait3A_44 : memref<1x32xi32, #tpu.memory_space<vmem>> -> memref<32xi32, #tpu.memory_space<vmem>>
    %dma_wait3A_46 = arith.constant 0 : i32
    %dma_wait3A_47 = arith.constant 0 : i32
    %dma_wait3A_48 = tpu.memref_slice %arg2[%dma_wait3A_46, %dma_wait3A_47] : memref<131072x768xf32, #tpu.memory_space<hbm>> -> memref<131072x768xf32, #tpu.memory_space<hbm>>
    tpu.wait_indirect_dma semaphore(%arg11 : memref<!tpu.dma_semaphore, #tpu.memory_space<semaphore_mem>>) src(%dma_wait3A_48 : memref<131072x768xf32, #tpu.memory_space<hbm>>) dst(%arg7 : memref<32x768xf32, #tpu.memory_space<vmem>>)
    %add3A_49 = arith.constant 32 : i32
    %add3A_50 = arith.addi %mul3A_2, %add3A_49 : i32
    %dma_start3A_51 = arith.constant 0 : i32
    %dma_start3A_52 = tpu.memref_slice %arg4[%add3A_50, %dma_start3A_51] : memref<65536x768xf32, #tpu.memory_space<hbm>> -> memref<32x768xf32, #tpu.memory_space<hbm>>
    %dma_start3A_53 = arith.constant 0 : i32
    %dma_start3A_54 = tpu.memref_slice %arg4[%add3A_50, %dma_start3A_53] : memref<65536x768xf32, #tpu.memory_space<hbm>> -> memref<32x768xf32, #tpu.memory_space<hbm>>
    tpu.enqueue_dma source(%arg7 : memref<32x768xf32, #tpu.memory_space<vmem>>) target(%dma_start3A_54 : memref<32x768xf32, #tpu.memory_space<hbm>>) target_semaphore(%arg15 : memref<!tpu.dma_semaphore, #tpu.memory_space<semaphore_mem>>)
    %scan3A = arith.constant 0 : i32
    %scan3A_55 = arith.constant 0 : i32
    %scan3A_56 = arith.constant 15 : i32
    %scan3A_57 = arith.addi %scan3A_55, %scan3A_56 : i32
    %scan3A_58 = arith.constant 1 : i32
    scf.for %scan3A_110 = %scan3A_55 to %scan3A_57 step %scan3A_58  : i32 {
      %mul3A_111 = arith.constant 4 : i32
      %mul3A_112 = arith.muli %scan3A_110, %mul3A_111 : i32
      %add3A_113 = arith.constant 2 : i32
      %add3A_114 = arith.addi %add3A_113, %mul3A_112 : i32
      %add3A_115 = arith.constant 0 : i32
      %add3A_116 = arith.addi %add3A_114, %add3A_115 : i32
      %add3A_117 = arith.constant 2 : i32
      %add3A_118 = arith.addi %add3A_116, %add3A_117 : i32
      %sub3A = arith.constant 4 : i32
      %sub3A_119 = arith.subi %add3A_118, %sub3A : i32
      %mul3A_120 = arith.constant 32 : i32
      %mul3A_121 = arith.muli %sub3A_119, %mul3A_120 : i32
      %add3A_122 = arith.addi %mul3A_2, %mul3A_121 : i32
      %dma_wait3A_123 = arith.constant 0 : i32
      %dma_wait3A_124 = tpu.memref_slice %arg4[%add3A_122, %dma_wait3A_123] : memref<65536x768xf32, #tpu.memory_space<hbm>> -> memref<32x768xf32, #tpu.memory_space<hbm>>
      %dma_wait3A_125 = arith.constant 0 : i32
      %dma_wait3A_126 = tpu.memref_slice %arg4[%add3A_122, %dma_wait3A_125] : memref<65536x768xf32, #tpu.memory_space<hbm>> -> memref<32x768xf32, #tpu.memory_space<hbm>>
      tpu.wait_dma2 semaphore(%arg14 : memref<!tpu.dma_semaphore, #tpu.memory_space<semaphore_mem>>) src(%arg6 : memref<32x768xf32, #tpu.memory_space<vmem>>) dst(%dma_wait3A_126 : memref<32x768xf32, #tpu.memory_space<hbm>>)
      %add3A_127 = arith.constant 2 : i32
      %add3A_128 = arith.addi %add3A_116, %add3A_127 : i32
      %dma_start3A_129 = arith.constant 0 : i32
      %dma_start3A_130 = tpu.memref_slice %arg5[%add3A_128, %dma_start3A_129] : memref<64x32xi32, #tpu.memory_space<vmem>> -> memref<1x32xi32, #tpu.memory_space<vmem>>
      %dma_start3A_131 = tpu.memref_squeeze %dma_start3A_130 : memref<1x32xi32, #tpu.memory_space<vmem>> -> memref<32xi32, #tpu.memory_space<vmem>>
      %dma_start3A_132 = arith.constant 0 : i32
      %dma_start3A_133 = arith.constant 0 : i32
      %dma_start3A_134 = tpu.memref_slice %arg2[%dma_start3A_132, %dma_start3A_133] : memref<131072x768xf32, #tpu.memory_space<hbm>> -> memref<131072x768xf32, #tpu.memory_space<hbm>>
      tpu.enqueue_indirect_dma source(%dma_start3A_134 : memref<131072x768xf32, #tpu.memory_space<hbm>>) target(%arg6 : memref<32x768xf32, #tpu.memory_space<vmem>>) offsets(%dma_start3A_131 : memref<32xi32, #tpu.memory_space<vmem>>) semaphore(%arg10 : memref<!tpu.dma_semaphore, #tpu.memory_space<semaphore_mem>>)
      %dma_wait3A_135 = arith.constant 0 : i32
      %dma_wait3A_136 = tpu.memref_slice %arg5[%add3A_116, %dma_wait3A_135] : memref<64x32xi32, #tpu.memory_space<vmem>> -> memref<1x32xi32, #tpu.memory_space<vmem>>
      %dma_wait3A_137 = tpu.memref_squeeze %dma_wait3A_136 : memref<1x32xi32, #tpu.memory_space<vmem>> -> memref<32xi32, #tpu.memory_space<vmem>>
      %dma_wait3A_138 = arith.constant 0 : i32
      %dma_wait3A_139 = arith.constant 0 : i32
      %dma_wait3A_140 = tpu.memref_slice %arg2[%dma_wait3A_138, %dma_wait3A_139] : memref<131072x768xf32, #tpu.memory_space<hbm>> -> memref<131072x768xf32, #tpu.memory_space<hbm>>
      tpu.wait_indirect_dma semaphore(%arg12 : memref<!tpu.dma_semaphore, #tpu.memory_space<semaphore_mem>>) src(%dma_wait3A_140 : memref<131072x768xf32, #tpu.memory_space<hbm>>) dst(%arg8 : memref<32x768xf32, #tpu.memory_space<vmem>>)
      %mul3A_141 = arith.constant 32 : i32
      %mul3A_142 = arith.muli %add3A_116, %mul3A_141 : i32
      %add3A_143 = arith.addi %mul3A_2, %mul3A_142 : i32
      %dma_start3A_144 = arith.constant 0 : i32
      %dma_start3A_145 = tpu.memref_slice %arg4[%add3A_143, %dma_start3A_144] : memref<65536x768xf32, #tpu.memory_space<hbm>> -> memref<32x768xf32, #tpu.memory_space<hbm>>
      %dma_start3A_146 = arith.constant 0 : i32
      %dma_start3A_147 = tpu.memref_slice %arg4[%add3A_143, %dma_start3A_146] : memref<65536x768xf32, #tpu.memory_space<hbm>> -> memref<32x768xf32, #tpu.memory_space<hbm>>
      tpu.enqueue_dma source(%arg8 : memref<32x768xf32, #tpu.memory_space<vmem>>) target(%dma_start3A_147 : memref<32x768xf32, #tpu.memory_space<hbm>>) target_semaphore(%arg16 : memref<!tpu.dma_semaphore, #tpu.memory_space<semaphore_mem>>)
      %mul3A_148 = arith.constant 4 : i32
      %mul3A_149 = arith.muli %scan3A_110, %mul3A_148 : i32
      %add3A_150 = arith.constant 2 : i32
      %add3A_151 = arith.addi %add3A_150, %mul3A_149 : i32
      %add3A_152 = arith.constant 1 : i32
      %add3A_153 = arith.addi %add3A_151, %add3A_152 : i32
      %add3A_154 = arith.constant 2 : i32
      %add3A_155 = arith.addi %add3A_153, %add3A_154 : i32
      %sub3A_156 = arith.constant 4 : i32
      %sub3A_157 = arith.subi %add3A_155, %sub3A_156 : i32
      %mul3A_158 = arith.constant 32 : i32
      %mul3A_159 = arith.muli %sub3A_157, %mul3A_158 : i32
      %add3A_160 = arith.addi %mul3A_2, %mul3A_159 : i32
      %dma_wait3A_161 = arith.constant 0 : i32
      %dma_wait3A_162 = tpu.memref_slice %arg4[%add3A_160, %dma_wait3A_161] : memref<65536x768xf32, #tpu.memory_space<hbm>> -> memref<32x768xf32, #tpu.memory_space<hbm>>
      %dma_wait3A_163 = arith.constant 0 : i32
      %dma_wait3A_164 = tpu.memref_slice %arg4[%add3A_160, %dma_wait3A_163] : memref<65536x768xf32, #tpu.memory_space<hbm>> -> memref<32x768xf32, #tpu.memory_space<hbm>>
      tpu.wait_dma2 semaphore(%arg15 : memref<!tpu.dma_semaphore, #tpu.memory_space<semaphore_mem>>) src(%arg7 : memref<32x768xf32, #tpu.memory_space<vmem>>) dst(%dma_wait3A_164 : memref<32x768xf32, #tpu.memory_space<hbm>>)
      %add3A_165 = arith.constant 2 : i32
      %add3A_166 = arith.addi %add3A_153, %add3A_165 : i32
      %dma_start3A_167 = arith.constant 0 : i32
      %dma_start3A_168 = tpu.memref_slice %arg5[%add3A_166, %dma_start3A_167] : memref<64x32xi32, #tpu.memory_space<vmem>> -> memref<1x32xi32, #tpu.memory_space<vmem>>
      %dma_start3A_169 = tpu.memref_squeeze %dma_start3A_168 : memref<1x32xi32, #tpu.memory_space<vmem>> -> memref<32xi32, #tpu.memory_space<vmem>>
      %dma_start3A_170 = arith.constant 0 : i32
      %dma_start3A_171 = arith.constant 0 : i32
      %dma_start3A_172 = tpu.memref_slice %arg2[%dma_start3A_170, %dma_start3A_171] : memref<131072x768xf32, #tpu.memory_space<hbm>> -> memref<131072x768xf32, #tpu.memory_space<hbm>>
      tpu.enqueue_indirect_dma source(%dma_start3A_172 : memref<131072x768xf32, #tpu.memory_space<hbm>>) target(%arg7 : memref<32x768xf32, #tpu.memory_space<vmem>>) offsets(%dma_start3A_169 : memref<32xi32, #tpu.memory_space<vmem>>) semaphore(%arg11 : memref<!tpu.dma_semaphore, #tpu.memory_space<semaphore_mem>>)
      %dma_wait3A_173 = arith.constant 0 : i32
      %dma_wait3A_174 = tpu.memref_slice %arg5[%add3A_153, %dma_wait3A_173] : memref<64x32xi32, #tpu.memory_space<vmem>> -> memref<1x32xi32, #tpu.memory_space<vmem>>
      %dma_wait3A_175 = tpu.memref_squeeze %dma_wait3A_174 : memref<1x32xi32, #tpu.memory_space<vmem>> -> memref<32xi32, #tpu.memory_space<vmem>>
      %dma_wait3A_176 = arith.constant 0 : i32
      %dma_wait3A_177 = arith.constant 0 : i32
      %dma_wait3A_178 = tpu.memref_slice %arg2[%dma_wait3A_176, %dma_wait3A_177] : memref<131072x768xf32, #tpu.memory_space<hbm>> -> memref<131072x768xf32, #tpu.memory_space<hbm>>
      tpu.wait_indirect_dma semaphore(%arg13 : memref<!tpu.dma_semaphore, #tpu.memory_space<semaphore_mem>>) src(%dma_wait3A_178 : memref<131072x768xf32, #tpu.memory_space<hbm>>) dst(%arg9 : memref<32x768xf32, #tpu.memory_space<vmem>>)
      %mul3A_179 = arith.constant 32 : i32
      %mul3A_180 = arith.muli %add3A_153, %mul3A_179 : i32
      %add3A_181 = arith.addi %mul3A_2, %mul3A_180 : i32
      %dma_start3A_182 = arith.constant 0 : i32
      %dma_start3A_183 = tpu.memref_slice %arg4[%add3A_181, %dma_start3A_182] : memref<65536x768xf32, #tpu.memory_space<hbm>> -> memref<32x768xf32, #tpu.memory_space<hbm>>
      %dma_start3A_184 = arith.constant 0 : i32
      %dma_start3A_185 = tpu.memref_slice %arg4[%add3A_181, %dma_start3A_184] : memref<65536x768xf32, #tpu.memory_space<hbm>> -> memref<32x768xf32, #tpu.memory_space<hbm>>
      tpu.enqueue_dma source(%arg9 : memref<32x768xf32, #tpu.memory_space<vmem>>) target(%dma_start3A_185 : memref<32x768xf32, #tpu.memory_space<hbm>>) target_semaphore(%arg17 : memref<!tpu.dma_semaphore, #tpu.memory_space<semaphore_mem>>)
      %mul3A_186 = arith.constant 4 : i32
      %mul3A_187 = arith.muli %scan3A_110, %mul3A_186 : i32
      %add3A_188 = arith.constant 2 : i32
      %add3A_189 = arith.addi %add3A_188, %mul3A_187 : i32
      %add3A_190 = arith.constant 2 : i32
      %add3A_191 = arith.addi %add3A_189, %add3A_190 : i32
      %add3A_192 = arith.constant 2 : i32
      %add3A_193 = arith.addi %add3A_191, %add3A_192 : i32
      %sub3A_194 = arith.constant 4 : i32
      %sub3A_195 = arith.subi %add3A_193, %sub3A_194 : i32
      %mul3A_196 = arith.constant 32 : i32
      %mul3A_197 = arith.muli %sub3A_195, %mul3A_196 : i32
      %add3A_198 = arith.addi %mul3A_2, %mul3A_197 : i32
      %dma_wait3A_199 = arith.constant 0 : i32
      %dma_wait3A_200 = tpu.memref_slice %arg4[%add3A_198, %dma_wait3A_199] : memref<65536x768xf32, #tpu.memory_space<hbm>> -> memref<32x768xf32, #tpu.memory_space<hbm>>
      %dma_wait3A_201 = arith.constant 0 : i32
      %dma_wait3A_202 = tpu.memref_slice %arg4[%add3A_198, %dma_wait3A_201] : memref<65536x768xf32, #tpu.memory_space<hbm>> -> memref<32x768xf32, #tpu.memory_space<hbm>>
      tpu.wait_dma2 semaphore(%arg16 : memref<!tpu.dma_semaphore, #tpu.memory_space<semaphore_mem>>) src(%arg8 : memref<32x768xf32, #tpu.memory_space<vmem>>) dst(%dma_wait3A_202 : memref<32x768xf32, #tpu.memory_space<hbm>>)
      %add3A_203 = arith.constant 2 : i32
      %add3A_204 = arith.addi %add3A_191, %add3A_203 : i32
      %dma_start3A_205 = arith.constant 0 : i32
      %dma_start3A_206 = tpu.memref_slice %arg5[%add3A_204, %dma_start3A_205] : memref<64x32xi32, #tpu.memory_space<vmem>> -> memref<1x32xi32, #tpu.memory_space<vmem>>
      %dma_start3A_207 = tpu.memref_squeeze %dma_start3A_206 : memref<1x32xi32, #tpu.memory_space<vmem>> -> memref<32xi32, #tpu.memory_space<vmem>>
      %dma_start3A_208 = arith.constant 0 : i32
      %dma_start3A_209 = arith.constant 0 : i32
      %dma_start3A_210 = tpu.memref_slice %arg2[%dma_start3A_208, %dma_start3A_209] : memref<131072x768xf32, #tpu.memory_space<hbm>> -> memref<131072x768xf32, #tpu.memory_space<hbm>>
      tpu.enqueue_indirect_dma source(%dma_start3A_210 : memref<131072x768xf32, #tpu.memory_space<hbm>>) target(%arg8 : memref<32x768xf32, #tpu.memory_space<vmem>>) offsets(%dma_start3A_207 : memref<32xi32, #tpu.memory_space<vmem>>) semaphore(%arg12 : memref<!tpu.dma_semaphore, #tpu.memory_space<semaphore_mem>>)
      %dma_wait3A_211 = arith.constant 0 : i32
      %dma_wait3A_212 = tpu.memref_slice %arg5[%add3A_191, %dma_wait3A_211] : memref<64x32xi32, #tpu.memory_space<vmem>> -> memref<1x32xi32, #tpu.memory_space<vmem>>
      %dma_wait3A_213 = tpu.memref_squeeze %dma_wait3A_212 : memref<1x32xi32, #tpu.memory_space<vmem>> -> memref<32xi32, #tpu.memory_space<vmem>>
      %dma_wait3A_214 = arith.constant 0 : i32
      %dma_wait3A_215 = arith.constant 0 : i32
      %dma_wait3A_216 = tpu.memref_slice %arg2[%dma_wait3A_214, %dma_wait3A_215] : memref<131072x768xf32, #tpu.memory_space<hbm>> -> memref<131072x768xf32, #tpu.memory_space<hbm>>
      tpu.wait_indirect_dma semaphore(%arg10 : memref<!tpu.dma_semaphore, #tpu.memory_space<semaphore_mem>>) src(%dma_wait3A_216 : memref<131072x768xf32, #tpu.memory_space<hbm>>) dst(%arg6 : memref<32x768xf32, #tpu.memory_space<vmem>>)
      %mul3A_217 = arith.constant 32 : i32
      %mul3A_218 = arith.muli %add3A_191, %mul3A_217 : i32
      %add3A_219 = arith.addi %mul3A_2, %mul3A_218 : i32
      %dma_start3A_220 = arith.constant 0 : i32
      %dma_start3A_221 = tpu.memref_slice %arg4[%add3A_219, %dma_start3A_220] : memref<65536x768xf32, #tpu.memory_space<hbm>> -> memref<32x768xf32, #tpu.memory_space<hbm>>
      %dma_start3A_222 = arith.constant 0 : i32
      %dma_start3A_223 = tpu.memref_slice %arg4[%add3A_219, %dma_start3A_222] : memref<65536x768xf32, #tpu.memory_space<hbm>> -> memref<32x768xf32, #tpu.memory_space<hbm>>
      tpu.enqueue_dma source(%arg6 : memref<32x768xf32, #tpu.memory_space<vmem>>) target(%dma_start3A_223 : memref<32x768xf32, #tpu.memory_space<hbm>>) target_semaphore(%arg14 : memref<!tpu.dma_semaphore, #tpu.memory_space<semaphore_mem>>)
      %mul3A_224 = arith.constant 4 : i32
      %mul3A_225 = arith.muli %scan3A_110, %mul3A_224 : i32
      %add3A_226 = arith.constant 2 : i32
      %add3A_227 = arith.addi %add3A_226, %mul3A_225 : i32
      %add3A_228 = arith.constant 3 : i32
      %add3A_229 = arith.addi %add3A_227, %add3A_228 : i32
      %add3A_230 = arith.constant 2 : i32
      %add3A_231 = arith.addi %add3A_229, %add3A_230 : i32
      %sub3A_232 = arith.constant 4 : i32
      %sub3A_233 = arith.subi %add3A_231, %sub3A_232 : i32
      %mul3A_234 = arith.constant 32 : i32
      %mul3A_235 = arith.muli %sub3A_233, %mul3A_234 : i32
      %add3A_236 = arith.addi %mul3A_2, %mul3A_235 : i32
      %dma_wait3A_237 = arith.constant 0 : i32
      %dma_wait3A_238 = tpu.memref_slice %arg4[%add3A_236, %dma_wait3A_237] : memref<65536x768xf32, #tpu.memory_space<hbm>> -> memref<32x768xf32, #tpu.memory_space<hbm>>
      %dma_wait3A_239 = arith.constant 0 : i32
      %dma_wait3A_240 = tpu.memref_slice %arg4[%add3A_236, %dma_wait3A_239] : memref<65536x768xf32, #tpu.memory_space<hbm>> -> memref<32x768xf32, #tpu.memory_space<hbm>>
      tpu.wait_dma2 semaphore(%arg17 : memref<!tpu.dma_semaphore, #tpu.memory_space<semaphore_mem>>) src(%arg9 : memref<32x768xf32, #tpu.memory_space<vmem>>) dst(%dma_wait3A_240 : memref<32x768xf32, #tpu.memory_space<hbm>>)
      %add3A_241 = arith.constant 2 : i32
      %add3A_242 = arith.addi %add3A_229, %add3A_241 : i32
      %dma_start3A_243 = arith.constant 0 : i32
      %dma_start3A_244 = tpu.memref_slice %arg5[%add3A_242, %dma_start3A_243] : memref<64x32xi32, #tpu.memory_space<vmem>> -> memref<1x32xi32, #tpu.memory_space<vmem>>
      %dma_start3A_245 = tpu.memref_squeeze %dma_start3A_244 : memref<1x32xi32, #tpu.memory_space<vmem>> -> memref<32xi32, #tpu.memory_space<vmem>>
      %dma_start3A_246 = arith.constant 0 : i32
      %dma_start3A_247 = arith.constant 0 : i32
      %dma_start3A_248 = tpu.memref_slice %arg2[%dma_start3A_246, %dma_start3A_247] : memref<131072x768xf32, #tpu.memory_space<hbm>> -> memref<131072x768xf32, #tpu.memory_space<hbm>>
      tpu.enqueue_indirect_dma source(%dma_start3A_248 : memref<131072x768xf32, #tpu.memory_space<hbm>>) target(%arg9 : memref<32x768xf32, #tpu.memory_space<vmem>>) offsets(%dma_start3A_245 : memref<32xi32, #tpu.memory_space<vmem>>) semaphore(%arg13 : memref<!tpu.dma_semaphore, #tpu.memory_space<semaphore_mem>>)
      %dma_wait3A_249 = arith.constant 0 : i32
      %dma_wait3A_250 = tpu.memref_slice %arg5[%add3A_229, %dma_wait3A_249] : memref<64x32xi32, #tpu.memory_space<vmem>> -> memref<1x32xi32, #tpu.memory_space<vmem>>
      %dma_wait3A_251 = tpu.memref_squeeze %dma_wait3A_250 : memref<1x32xi32, #tpu.memory_space<vmem>> -> memref<32xi32, #tpu.memory_space<vmem>>
      %dma_wait3A_252 = arith.constant 0 : i32
      %dma_wait3A_253 = arith.constant 0 : i32
      %dma_wait3A_254 = tpu.memref_slice %arg2[%dma_wait3A_252, %dma_wait3A_253] : memref<131072x768xf32, #tpu.memory_space<hbm>> -> memref<131072x768xf32, #tpu.memory_space<hbm>>
      tpu.wait_indirect_dma semaphore(%arg11 : memref<!tpu.dma_semaphore, #tpu.memory_space<semaphore_mem>>) src(%dma_wait3A_254 : memref<131072x768xf32, #tpu.memory_space<hbm>>) dst(%arg7 : memref<32x768xf32, #tpu.memory_space<vmem>>)
      %mul3A_255 = arith.constant 32 : i32
      %mul3A_256 = arith.muli %add3A_229, %mul3A_255 : i32
      %add3A_257 = arith.addi %mul3A_2, %mul3A_256 : i32
      %dma_start3A_258 = arith.constant 0 : i32
      %dma_start3A_259 = tpu.memref_slice %arg4[%add3A_257, %dma_start3A_258] : memref<65536x768xf32, #tpu.memory_space<hbm>> -> memref<32x768xf32, #tpu.memory_space<hbm>>
      %dma_start3A_260 = arith.constant 0 : i32
      %dma_start3A_261 = tpu.memref_slice %arg4[%add3A_257, %dma_start3A_260] : memref<65536x768xf32, #tpu.memory_space<hbm>> -> memref<32x768xf32, #tpu.memory_space<hbm>>
      tpu.enqueue_dma source(%arg7 : memref<32x768xf32, #tpu.memory_space<vmem>>) target(%dma_start3A_261 : memref<32x768xf32, #tpu.memory_space<hbm>>) target_semaphore(%arg15 : memref<!tpu.dma_semaphore, #tpu.memory_space<semaphore_mem>>)
    }
    %scan3A_59 = arith.constant 15 : i32
    %dma_wait3A_60 = arith.constant 62 : i32
    %dma_wait3A_61 = arith.constant 0 : i32
    %dma_wait3A_62 = tpu.memref_slice %arg5[%dma_wait3A_60, %dma_wait3A_61] : memref<64x32xi32, #tpu.memory_space<vmem>> -> memref<1x32xi32, #tpu.memory_space<vmem>>
    %dma_wait3A_63 = tpu.memref_squeeze %dma_wait3A_62 : memref<1x32xi32, #tpu.memory_space<vmem>> -> memref<32xi32, #tpu.memory_space<vmem>>
    %dma_wait3A_64 = arith.constant 0 : i32
    %dma_wait3A_65 = arith.constant 0 : i32
    %dma_wait3A_66 = tpu.memref_slice %arg2[%dma_wait3A_64, %dma_wait3A_65] : memref<131072x768xf32, #tpu.memory_space<hbm>> -> memref<131072x768xf32, #tpu.memory_space<hbm>>
    tpu.wait_indirect_dma semaphore(%arg12 : memref<!tpu.dma_semaphore, #tpu.memory_space<semaphore_mem>>) src(%dma_wait3A_66 : memref<131072x768xf32, #tpu.memory_space<hbm>>) dst(%arg8 : memref<32x768xf32, #tpu.memory_space<vmem>>)
    %add3A_67 = arith.constant 1984 : i32
    %add3A_68 = arith.addi %mul3A_2, %add3A_67 : i32
    %dma_start3A_69 = arith.constant 0 : i32
    %dma_start3A_70 = tpu.memref_slice %arg4[%add3A_68, %dma_start3A_69] : memref<65536x768xf32, #tpu.memory_space<hbm>> -> memref<32x768xf32, #tpu.memory_space<hbm>>
    %dma_start3A_71 = arith.constant 0 : i32
    %dma_start3A_72 = tpu.memref_slice %arg4[%add3A_68, %dma_start3A_71] : memref<65536x768xf32, #tpu.memory_space<hbm>> -> memref<32x768xf32, #tpu.memory_space<hbm>>
    tpu.enqueue_dma source(%arg8 : memref<32x768xf32, #tpu.memory_space<vmem>>) target(%dma_start3A_72 : memref<32x768xf32, #tpu.memory_space<hbm>>) target_semaphore(%arg16 : memref<!tpu.dma_semaphore, #tpu.memory_space<semaphore_mem>>)
    %dma_wait3A_73 = arith.constant 63 : i32
    %dma_wait3A_74 = arith.constant 0 : i32
    %dma_wait3A_75 = tpu.memref_slice %arg5[%dma_wait3A_73, %dma_wait3A_74] : memref<64x32xi32, #tpu.memory_space<vmem>> -> memref<1x32xi32, #tpu.memory_space<vmem>>
    %dma_wait3A_76 = tpu.memref_squeeze %dma_wait3A_75 : memref<1x32xi32, #tpu.memory_space<vmem>> -> memref<32xi32, #tpu.memory_space<vmem>>
    %dma_wait3A_77 = arith.constant 0 : i32
    %dma_wait3A_78 = arith.constant 0 : i32
    %dma_wait3A_79 = tpu.memref_slice %arg2[%dma_wait3A_77, %dma_wait3A_78] : memref<131072x768xf32, #tpu.memory_space<hbm>> -> memref<131072x768xf32, #tpu.memory_space<hbm>>
    tpu.wait_indirect_dma semaphore(%arg13 : memref<!tpu.dma_semaphore, #tpu.memory_space<semaphore_mem>>) src(%dma_wait3A_79 : memref<131072x768xf32, #tpu.memory_space<hbm>>) dst(%arg9 : memref<32x768xf32, #tpu.memory_space<vmem>>)
    %add3A_80 = arith.constant 2016 : i32
    %add3A_81 = arith.addi %mul3A_2, %add3A_80 : i32
    %dma_start3A_82 = arith.constant 0 : i32
    %dma_start3A_83 = tpu.memref_slice %arg4[%add3A_81, %dma_start3A_82] : memref<65536x768xf32, #tpu.memory_space<hbm>> -> memref<32x768xf32, #tpu.memory_space<hbm>>
    %dma_start3A_84 = arith.constant 0 : i32
    %dma_start3A_85 = tpu.memref_slice %arg4[%add3A_81, %dma_start3A_84] : memref<65536x768xf32, #tpu.memory_space<hbm>> -> memref<32x768xf32, #tpu.memory_space<hbm>>
    tpu.enqueue_dma source(%arg9 : memref<32x768xf32, #tpu.memory_space<vmem>>) target(%dma_start3A_85 : memref<32x768xf32, #tpu.memory_space<hbm>>) target_semaphore(%arg17 : memref<!tpu.dma_semaphore, #tpu.memory_space<semaphore_mem>>)
    %add3A_86 = arith.constant 1920 : i32
    %add3A_87 = arith.addi %mul3A_2, %add3A_86 : i32
    %dma_wait3A_88 = arith.constant 0 : i32
    %dma_wait3A_89 = tpu.memref_slice %arg4[%add3A_87, %dma_wait3A_88] : memref<65536x768xf32, #tpu.memory_space<hbm>> -> memref<32x768xf32, #tpu.memory_space<hbm>>
    %dma_wait3A_90 = arith.constant 0 : i32
    %dma_wait3A_91 = tpu.memref_slice %arg4[%add3A_87, %dma_wait3A_90] : memref<65536x768xf32, #tpu.memory_space<hbm>> -> memref<32x768xf32, #tpu.memory_space<hbm>>
    tpu.wait_dma2 semaphore(%arg14 : memref<!tpu.dma_semaphore, #tpu.memory_space<semaphore_mem>>) src(%arg6 : memref<32x768xf32, #tpu.memory_space<vmem>>) dst(%dma_wait3A_91 : memref<32x768xf32, #tpu.memory_space<hbm>>)
    %add3A_92 = arith.constant 1952 : i32
    %add3A_93 = arith.addi %mul3A_2, %add3A_92 : i32
    %dma_wait3A_94 = arith.constant 0 : i32
    %dma_wait3A_95 = tpu.memref_slice %arg4[%add3A_93, %dma_wait3A_94] : memref<65536x768xf32, #tpu.memory_space<hbm>> -> memref<32x768xf32, #tpu.memory_space<hbm>>
    %dma_wait3A_96 = arith.constant 0 : i32
    %dma_wait3A_97 = tpu.memref_slice %arg4[%add3A_93, %dma_wait3A_96] : memref<65536x768xf32, #tpu.memory_space<hbm>> -> memref<32x768xf32, #tpu.memory_space<hbm>>
    tpu.wait_dma2 semaphore(%arg15 : memref<!tpu.dma_semaphore, #tpu.memory_space<semaphore_mem>>) src(%arg7 : memref<32x768xf32, #tpu.memory_space<vmem>>) dst(%dma_wait3A_97 : memref<32x768xf32, #tpu.memory_space<hbm>>)
    %add3A_98 = arith.constant 1984 : i32
    %add3A_99 = arith.addi %mul3A_2, %add3A_98 : i32
    %dma_wait3A_100 = arith.constant 0 : i32
    %dma_wait3A_101 = tpu.memref_slice %arg4[%add3A_99, %dma_wait3A_100] : memref<65536x768xf32, #tpu.memory_space<hbm>> -> memref<32x768xf32, #tpu.memory_space<hbm>>
    %dma_wait3A_102 = arith.constant 0 : i32
    %dma_wait3A_103 = tpu.memref_slice %arg4[%add3A_99, %dma_wait3A_102] : memref<65536x768xf32, #tpu.memory_space<hbm>> -> memref<32x768xf32, #tpu.memory_space<hbm>>
    tpu.wait_dma2 semaphore(%arg16 : memref<!tpu.dma_semaphore, #tpu.memory_space<semaphore_mem>>) src(%arg8 : memref<32x768xf32, #tpu.memory_space<vmem>>) dst(%dma_wait3A_103 : memref<32x768xf32, #tpu.memory_space<hbm>>)
    %add3A_104 = arith.constant 2016 : i32
    %add3A_105 = arith.addi %mul3A_2, %add3A_104 : i32
    %dma_wait3A_106 = arith.constant 0 : i32
    %dma_wait3A_107 = tpu.memref_slice %arg4[%add3A_105, %dma_wait3A_106] : memref<65536x768xf32, #tpu.memory_space<hbm>> -> memref<32x768xf32, #tpu.memory_space<hbm>>
    %dma_wait3A_108 = arith.constant 0 : i32
    %dma_wait3A_109 = tpu.memref_slice %arg4[%add3A_105, %dma_wait3A_108] : memref<65536x768xf32, #tpu.memory_space<hbm>> -> memref<32x768xf32, #tpu.memory_space<hbm>>
    tpu.wait_dma2 semaphore(%arg17 : memref<!tpu.dma_semaphore, #tpu.memory_space<semaphore_mem>>) src(%arg9 : memref<32x768xf32, #tpu.memory_space<vmem>>) dst(%dma_wait3A_109 : memref<32x768xf32, #tpu.memory_space<hbm>>)
    return
  }
}

</mosaic_0001>

<sc_bundles>
// kernel: kernel.3.cloned.1.call-start
scs
__scs_entry_jumppad:
0x0: {  	(pc) =	sbr.rel $0x88, $3  }
0x1: {  	(tag) =	ssettag $0x0;
	lr =	simm.s32 $0x1  }
0x2: {  	[smem:$0x3FA0] =	sst lr;
	_ =	strace $0xD0000000  }
0x3: {  	_ = 	snop  }
0x4: {  	_ = 	snop  }
0x5: {  	_ = 	snop  }
0x6: {  	_ = 	snop  }
0x7: {  	_ = 	snop  }
__scs_overlays_trampoline_lowered:
0x8: {  	[smem:$0x3FAF] =	sst s0  }
0x9: {  	[smem:$0x3FB0] =	sst s1  }
0xa: {  	[smem:$0x3FB1] =	sst s2  }
0xb: {  	[smem:$0x3FB2] =	sst s3  }
0xc: {  	[smem:$0x3FB3] =	sst s4  }
0xd: {  	[smem:$0x3FB4] =	sst s5  }
0xe: {  	[smem:$0x3FB5] =	sst s6  }
0xf: {  	[smem:$0x3FB6] =	sst s7  }
0x10: {  	[smem:$0x3FB7] =	sst s8  }
0x11: {  	[smem:$0x3FB8] =	sst s9;
	s0 =	simm.s32 @!p0 $0x0  }
0x12: {  	s1 =	sld [smem:$0x3F9E];
	s0 =	simm.s32 @p0 $0x1  }
0x13: {  	[smem:$0x3FB9] =	sst s0;
	s0 =	simm.s32 @!p1 $0x0  }
0x14: {  	s2 =	sld [smem:$0x3F9D];
	s0 =	simm.s32 @p1 $0x1  }
0x15: {  	[smem:$0x3FBA] =	sst s0;
	s0 =	simm.s32 @!p2 $0x0  }
0x16: {  	s3 =	sld [smem:$0x3FDB];
	s0 =	simm.s32 @p2 $0x1  }
0x17: {  	s4 =	simm.s32 $0x1BF5;
	[smem:$0x3FBC] =	sst s0  }
0x18: {  	s0 =	sld [smem:$0x3F9F];
	_ =	swait.ge [sflag:s4], $0x0  }
0x19: {  	s7 =	sld [smem:$0x3FA0]  }
0x1a: {  	s8 =	sadd.s32 $0xFFFFE003, lr  }
0x1b: {  	s9 =	sadd.s32 $0xFFFFFEF7, lr;
	s5 =	simm.s32 $0xFFFFFFFF;
	p2 =	slt.u32 s8, $0xFFFFF086  }
0x1c: {  	p1 =	slt.u32 s9, $0xF7A;
	s5 =	simm.s32 @!p2 $0x0  }
0x1d: {  	s5 =	simm.s32 @p1 $0x1;
	p0 =	seq.s32 s7, s2  }
0x1e: {  	s7 =	smul.u32 @!p0 $0xF7A, s2;
	p2 =	seq.s32 @!p0 s5, $0x0  }
0x1f: {  	s9 =	smul.u32 $0xF7A, s1;
	s8 =	simm.s32 @!p0 $0x1BF5;
	p2 =	por !p2, p0  }
0x20: {  	[sflag:s8] =	ssyncset.s32 @!p0 $0xFFFFF086;
	s6 =	sadd.s32 @!p0 s3, s7;
	s7 =	simm.s32 @!p0 $0x108  }
0x21: {  	s3 =	sadd.s32 s3, s9;
	s6 =	sadd.s32 @!p0 $0x88, s6;
	s7 =	simm.s32 @p2 $0x1082  }
0x22: {  	[simem:s7], [sflag:s8] =	dma.local @!p0 [hbm:s6], $0xF7A  }
0x23: {  	s9 =	sor.u32 $0xD0000000, s2;
	s6 =	simm.s32 $0x108;
	_ =	swait.ge @!p0 [sflag:s8], $0x0  }
0x24: {  	s3 =	sadd.s32 $0x88, s3;
	s6 =	simm.s32 @!p1 $0x1082;
	[sflag:s4] =	ssyncset.s32 $0xFFFFF086  }
0x25: {  	[simem:s6], [sflag:s4] =	dma.local [hbm:s3], $0xF7A  }
0x26: {  	[smem:$0x3FA0] =	sst s1;
	(tag) =	ssettag s2;
	_ =	strace s9  }
0x27: {  	s1 =	sld [smem:$0x3FB0]  }
0x28: {  	s2 =	sld [smem:$0x3FB1]  }
0x29: {  	s4 =	sld [smem:$0x3FB3]  }
0x2a: {  	p0 =	seq.s32 s5, $0x0;
	s5 =	sld [smem:$0x3FB4]  }
0x2b: {  	s6 =	sld [smem:$0x3FB5]  }
0x2c: {  	s7 =	sld [smem:$0x3FB6]  }
0x2d: {  	s3 =	simm.s32 $0x108;
	s8 =	sld [smem:$0x3FB7]  }
0x2e: {  	s3 =	simm.s32 @!p0 $0x1082;
	s9 =	sld [smem:$0x3FB8]  }
0x2f: {  	lr =	sadd.s32 s0, s3;
	s0 =	sld [smem:$0x3FAF]  }
0x30: {  	s3 =	sld [smem:$0x3FB2]  }
0x31: {  	[smem:$0x3FBB] =	sst s10  }
0x32: {  	s10 =	sld [smem:$0x3FB9];
	_ =	sdelay $0x3  }
0x33: {  	p0 =	seq.s32 s10, $0x1;
	s10 =	sld [smem:$0x3FBB];
	_ =	sdelay $0x3  }
0x34: {  	[smem:$0x3FBB] =	sst s10  }
0x35: {  	s10 =	sld [smem:$0x3FBA];
	_ =	sdelay $0x3  }
0x36: {  	p1 =	seq.s32 s10, $0x1;
	s10 =	sld [smem:$0x3FBB];
	_ =	sdelay $0x3  }
0x37: {  	[smem:$0x3FBB] =	sst s10  }
0x38: {  	s10 =	sld [smem:$0x3FBC]  }
0x39: {  	_ = 	snop;
	(pc) =	sbr.ind lr, $3  }
0x3a: {  	_ = 	snop  }
0x3b: {  	_ = 	snop  }
0x3c: {  	p2 =	seq.s32 s10, $0x1;
	s10 =	sld [smem:$0x3FBB]  }
0x3d: {  	_ =	shalt  }
0x3e: {  	_ =	shalt  }
0x3f: {  	_ =	shalt  }
0x40: {  	_ =	shalt  }
0x41: {  	_ =	shalt  }
0x42: {  	_ =	shalt  }
0x43: {  	_ =	shalt  }
0x44: {  	_ =	shalt  }
0x45: {  	_ =	shalt  }
0x46: {  	_ =	shalt  }
0x47: {  	_ =	shalt  }
0x48: {  	_ =	shalt  }
0x49: {  	_ =	shalt  }
0x4a: {  	_ =	shalt  }
0x4b: {  	_ =	shalt  }
0x4c: {  	_ =	shalt  }
0x4d: {  	_ =	shalt  }
0x4e: {  	_ =	shalt  }
0x4f: {  	_ =	shalt  }
0x50: {  	_ =	shalt  }
0x51: {  	_ =	shalt  }
0x52: {  	_ =	shalt  }
0x53: {  	_ =	shalt  }
0x54: {  	_ =	shalt  }
0x55: {  	_ =	shalt  }
0x56: {  	_ =	shalt  }
0x57: {  	_ =	shalt  }
0x58: {  	_ =	shalt  }
0x59: {  	_ =	shalt  }
0x5a: {  	_ =	shalt  }
0x5b: {  	_ =	shalt  }
0x5c: {  	_ =	shalt  }
0x5d: {  	_ =	shalt  }
0x5e: {  	_ =	shalt  }
0x5f: {  	_ =	shalt  }
0x60: {  	_ =	shalt  }
0x61: {  	_ =	shalt  }
0x62: {  	_ =	shalt  }
0x63: {  	_ =	shalt  }
0x64: {  	_ =	shalt  }
0x65: {  	_ =	shalt  }
0x66: {  	_ =	shalt  }
0x67: {  	_ =	shalt  }
0x68: {  	_ =	shalt  }
0x69: {  	_ =	shalt  }
0x6a: {  	_ =	shalt  }
0x6b: {  	_ =	shalt  }
0x6c: {  	_ =	shalt  }
0x6d: {  	_ =	shalt  }
0x6e: {  	_ =	shalt  }
0x6f: {  	_ =	shalt  }
0x70: {  	_ =	shalt  }
0x71: {  	_ =	shalt  }
0x72: {  	_ =	shalt  }
0x73: {  	_ =	shalt  }
0x74: {  	_ =	shalt  }
0x75: {  	_ =	shalt  }
0x76: {  	_ =	shalt  }
0x77: {  	_ =	shalt  }
0x78: {  	_ =	shalt  }
0x79: {  	_ =	shalt  }
0x7a: {  	_ =	shalt  }
0x7b: {  	_ =	shalt  }
0x7c: {  	_ =	shalt  }
0x7d: {  	_ =	shalt  }
0x7e: {  	_ =	shalt  }
0x7f: {  	_ =	shalt  }
0x80: {  	_ =	shalt  }
0x81: {  	_ =	shalt  }
0x82: {  	_ =	shalt  }
0x83: {  	_ =	shalt  }
0x84: {  	_ =	shalt  }
0x85: {  	_ =	shalt  }
0x86: {  	_ =	shalt  }
0x87: {  	_ =	shalt  }
.Lfunc_end0:
.L_simem_size_0:
called_computation_lowered:
.L_overlay_start_0:
0x88: {  	s2 =	sld [smem:$0x3FD9]  }
0x89: {  	s3 =	sld [smem:$0x3FFE];
	_ =	sdelay $0x1  }
0x8a: {  	s1 =	srdreg.scid  }
0x8b: {  	s0 =	sand.u32 $0x1, s1  }
0x8c: {  	s14 =	sshll.u32 s0, $0xA;
	s2 =	sadd.s32 s3, s2  }
0x8d: {  	s2 =	sadd.s32 s2, s14  }
0x8e: {  	[smem:$0x3FC7] =	sst s2  }
0x8f: {  	_ = 	snop  }
0x90: {  	s2 =	sld [smem:$0x3FD0];
	_ =	sdelay $0x2  }
0x91: {  	s4 =	simm.s32 $0xA;
	s5 =	simm.s32 $0x10;
	s15 =	sld [smem:$0x3FC9]  }
0x92: {  	[smem:s5], [sflag:s4] =	dma.local [hbm:s2], $0x1  }
0x93: {  	_ =	swait.eq [sflag:s4], $0x1  }
0x94: {  	[sflag:s4] =	ssyncset.done $0x0  }
0x95: {  	[sflag:s4] =	ssyncadd.s32 $0xFFFFFFFF  }
0x96: {  	s16 =	sld [smem:$0x10];
	(tm) =	ssettm $0x1  }
0x97: {  	s17 =	sld [smem:$0x3FFB];
	_ =	sdelay $0x3  }
0x98: {  	_ =	strace s17  }
0x99: {  	s4 =	sld [smem:$0x3FFC];
	_ =	sdelay $0x3  }
0x9a: {  	_ =	strace s4  }
0x9b: {  	s4 =	sld [smem:$0x3FFD];
	_ =	sdelay $0x3  }
0x9c: {  	_ =	strace s4  }
0x9d: {  	_ =	strace $0x8FFFFFFF  }
0x9e: {  	s18 =	sld [smem:$0x3FDB];
	_ =	sdelay $0x1  }
0x9f: {  	s19 =	simm.s32 $_scs_section_size  }
0xa0: {  	s6 =	simm.s32 $_size__tile_overlayer_lowered;
	s7 =	simm.s32 $_tile_overlayer_lowered  }
0xa1: {  	s22 =	simm.s32 $0x1BFF;
	s21 =	sshll.u32 s7, $0x1;
	s4 =	sadd.s32 s19, s18  }
0xa2: {  	s8 =	simm.s32 $0x0;
	s20 =	sshll.u32 s6, $0x1;
	s6 =	sadd.s32 s21, s4  }
0xa3: {  	[timem:s8], [sflag:s22] =	dma.local [hbm:s6], s20  }
0xa4: {  	_ =	swait.ge [sflag:s22], s20  }
0xa5: {  	s5 =	ssub.s32 $0x0, s20;
	[sflag:s22] =	ssyncset.done $0x0  }
0xa6: {  	[sflag:s22] =	ssyncadd.s32 s5;
	_ =	sdelay $0x1  }
0xa7: {  	s23 =	simm.s32 $0x1B8B  }
0xa8: {  	_ =	swait.ge [sflag:s23], $0x1  }
0xa9: {  	[sflag:s23] =	ssyncset.done $0x0  }
0xaa: {  	s25 =	simm.s32 $0x1B8E;
	s24 =	sld [smem:$0x3FFE];
	[sflag:s23] =	ssyncadd.s32 $0xFFFFFFFF  }
0xab: {  	s26 =	simm.s32 $execute0_lowered;
	[smem:$0x3FD2] =	sst s25  }
0xac: {  	s6 =	sshll.u32 s26, $0x1;
	_ =	strace $0x80000046;
	[dreg:$0x1] =	wrdreg $0xFFFFFFFF  }
0xad: {  	s28 =	simm.s32 $_size_execute0_lowered;
	s4 =	sadd.s32 s4, s6;
	[dreg:$0x0] =	wrdreg $0x0  }
0xae: {  	s6 =	sshll.u32 s28, $0x1;
	[dreg:$0x2] =	wrdreg s4  }
0xaf: {  	[dreg:$0x3] =	wrdreg s6  }
0xb0: {  	[dreg:$0x4] =	wrdreg $0xC0  }
0xb1: {  	_ =	task [dreg:s8], $0x5FFFF  }
0xb2: {  	[dreg:$0x1] =	wrdreg $0xFFFFFFFF  }
0xb3: {  	[dreg:$0x0] =	wrdreg $0x60  }
0xb4: {  	[dreg:$0x2] =	wrdreg s15  }
0xb5: {  	[dreg:$0x3] =	wrdreg s24  }
0xb6: {  	[dreg:$0x4] =	wrdreg s16  }
0xb7: {  	[dreg:$0x5] =	wrdreg $0x9  }
0xb8: {  	_ =	task.clear_ibuf [dreg:s8], $0x6FFFF;
	_ =	strace $0x90000046  }
0xb9: {  	s29 =	simm.s32 $0x9;
	_ =	strace $0x80000048  }
0xba: {  	_ =	swait.ge [sflag:s29], $0x1  }
0xbb: {  	[sflag:s29] =	ssyncadd.s32 $0xFFFFFFFF  }
0xbc: {  	_ =	strace $0x90000048  }
0xbd: {  	_ =	sfence  }
0xbe: {  	s30 =	sld [smem:$0x0];
	_ =	sdelay $0x2  }
0xbf: {  	s31 =	sshll.u32 s1, $0xD;
	s1 =	sshrl.u32 s1, $0x2  }
0xc0: {  	s3 =	sand.u32 $0x4000, s31;
	s1 =	sadd.s32 s1, s30  }
0xc1: {  	s0 =	sor.u32 s3, s0;
	s1 =	sshll.u32 s1, $0x11  }
0xc2: {  	s0 =	sor.u32 s1, s0  }
0xc3: {  	s0 =	sadd.s32 $0x8F2B, s0  }
0xc4: {  	[sflag:s0] =	ssyncadd.remote.s32 $0x1  }
0xc5: {  	_ =	sfence.sel $0xFFFF  }
0xc6: {  	[dreg:$0x0] =	wrdreg $0xFFFFFFFF;
	(pc) =	sbr.abs _section_cstart, $3  }
0xc7: {  	[dreg:$0x1] =	wrdreg $0xFFFFFFFF  }
0xc8: {  	_ =	task.clear_ibuf [dreg:s8], $0x2FFFF;
	_ =	strace $0x9FFFFFFF  }
0xc9: {  	(tm) =	ssettm $0x7FFFFFFF  }
tec
execute0_lowered:
.L_overlay_start_1:
0x0: {  	(tag) =	ssettag $0x1  }
0x1: {  	s2 =	rddreg [dreg:$0x0]  }
0x2: {  	s0 =	rddreg [dreg:$0x1]  }
0x3: {  	s1 =	rddreg [dreg:$0x2];
	s3 =	srdreg.scid  }
0x4: {  	s10 =	stileid.u32;
	s31 =	simm.s32 $0x2000;
	s29 =	simm.s32 $0x5000  }
0x5: {  	s30 =	simm.s32 $0x5800;
	s13 =	simm.s32 $0x9800;
	s28 =	simm.s32 $0xE000  }
0x6: {  	s11 =	simm.s32 $0x2;
	s12 =	simm.s32 $0x5;
	s14 =	simm.s32 $0x3  }
0x7: {  	s15 =	simm.s32 $0x6;
	s16 =	simm.s32 $0x4;
	s17 =	simm.s32 $0x7  }
0x8: {  	s18 =	simm.s32 $0x8;
	s4 =	sand.u32 $0x1, s3;
	s5 =	sshll.u32 s10, $0x1  }
0x9: {  	s3 =	simm.s32 $0x0;
	s20 =	sshll.u32 s10, $0xC;
	s7 =	sor.u32 s4, s5  }
0xa: {  	s19 =	ssub.s32 $0x2, s4;
	[smem:$0x7FF] =	sst s3;
	s4 =	sshll.u32 s4, $0xB  }
0xb: {  	s5 =	sadd.s32 $0x100, s2;
	s6 =	sshll.u32 s7, $0xA;
	s8 =	sshrl.u32 s19, $0x1  }
0xc: {  	_ =	strace $0x80000047;
	s9 =	smul.u32 $0x30000, s7;
	s21 =	sor.u32 s4, s20  }
0xd: {  	s7 =	smul.u32 $0x180000, s7;
	s20 =	simm.s32 $0x3800;
	s0 =	sadd.s32 s6, s0  }
0xe: {  	s8 =	ssub.s32 s19, s8;
	s6 =	sadd.s32 $0x200, s2;
	s4 =	sor.u32 $0xA0, s21  }
0xf: {  	s23 =	sor.u32 $0x80, s21;
	s19 =	simm.s32 $0x0;
	s0 =	sadd.s32 $0x800, s0  }
0x10: {  	s22 =	sadd.s32 s1, s9;
	s4 =	sshrl.u32 s4, $0x3;
	s9 =	sshrl.u32 s23, $0x3  }
0x11: {  	s7 =	sshrl.u32 s7, $0x3;
	s26 =	smax.u32 s8, $0x1;
	[dreg:$0xd] =	wrdreg s19  }
0x12: {  	s8 =	simm.s32 $0x7800;
	s23 =	simm.s32 $0x1;
	[dreg:$0x7] =	wrdreg s0  }
0x13: {  	[dreg:$0x8] =	wrdreg s22;
	s10 =	sadd.s32 $0xC00, s22;
	s4 =	smul.u32 $0x300, s4  }
0x14: {  	s9 =	smul.u32 $0x300, s9;
	s0 =	sshrl.u32 s21, $0x3;
	s7 =	sadd.s32 s1, s7  }
0x15: {  	[dreg:$0xc] =	wrdreg s26;
	s21 =	simm.s32 $0x2800;
	s22 =	simm.s32 $0x3000  }
0x16: {  	s26 =	simm.s32 $0x4000;
	[dreg:$0x9] =	wrdreg s10;
	s24 =	sadd.s32 $0x2E800, s7  }
0x17: {  	s0 =	smul.u32 $0x300, s0;
	s7 =	sadd.s32 $0x2F400, s7;
	[dreg:$0xa] =	wrdreg s24  }
0x18: {  	s10 =	simm.s32 $0xA000;
	s4 =	sadd.s32 s4, s1;
	[dreg:$0xb] =	wrdreg s7  }
0x19: {  	s25 =	sadd.s32 s9, s1;
	s7 =	simm.s32 $0x8800;
	[dreg:$0x4] =	wrdreg s4  }
0x1a: {  	v2 =	vlaneseq.u32;
	s9 =	simm.s32 $0x9000;
	s24 =	simm.s32 $0x14000;
	[dreg:$0x5] =	wrdreg s25  }
0x1b: {  	vm0 =	vmmov $0xffff;
	v1 =	vshrl.u32 v2, $0x3;
	s0 =	sadd.s32 s0, s1;
	s25 =	simm.s32 $0x4800;
	s1 =	simm.s32 $0x6800  }
0x1c: {  	v0 =	vand.u32 $0x7, v2;
	v2 =	vor.u32 $0x8, v2;
	v1 =	vmul.u32 $0x8, v1;
	s4 =	simm.s32 $0x7000;
	[dreg:$0x6] =	wrdreg s0;
	s0 =	simm.s32 $0x6000  }
.LBB2_1:
0x1d: {  	s19 =	rddreg [dreg:$0x7]  }
0x1e: {  	[tilespmem:s3], [sflag:$0x9] =	stream.linear.gather [hbm4b:s19+s3], $0x2000, $0x38;
	[tilespmem:$0x1A000] =	vst v63  }
0x1f: {  	s19 =	simm.s32 $0x9  }
0x20: {  	_ =	swait.ge [sflag:s19], $0x2000  }
0x21: {  	[sflag:s19] =	ssyncset.done $0x0  }
0x22: {  	[sflag:s19] =	ssyncadd.s32 $0xFFFFE000  }
0x23: {  	v3 =	vld [tilespmem:$0x0];
	_ =	sdelay $0x4  }
0x24: {  	v4 =	vshrl.u32 v3, $0x3  }
0x25: {  	v4 =	vmul.u32 $0x30, v4  }
0x26: {  	v3 =	vand.u32 $0x7, v3  }
0x27: {  	v3 =	vor.u32 v3, v4  }
0x28: {  	v4 =	vperm.xlane v3, v0;
	_ =	sdelay $0x1  }
0x29: {  	v4 =	vadd.s32 v1, v4;
	_ =	sdelay $0x3  }
0x2a: {  	v3 =	vperm.xlane v3, v2  }
0x2b: {  	[tilespmem:s31], [sflag:$0x1] =	stream.indirect_vreg.gather [hbm4b:s2+s3], $0x80, v4, vm0, $0xb8;
	[tilespmem:$0x1A000] =	vst v63  }
0x2c: {  	v3 =	vadd.s32 v1, v3  }
0x2d: {  	[tilespmem:s21], [sflag:$0x1] =	stream.indirect_vreg.gather [hbm4b:s5+s3], $0x80, v4, vm0, $0xb8;
	[tilespmem:$0x1A000] =	vst v63  }
0x2e: {  	_ = 	snop  }
0x2f: {  	[tilespmem:s22], [sflag:$0x1] =	stream.indirect_vreg.gather [hbm4b:s6+s3], $0x80, v4, vm0, $0xb8;
	[tilespmem:$0x1A000] =	vst v63  }
0x30: {  	_ = 	snop  }
0x31: {  	[tilespmem:s20], [sflag:$0x1] =	stream.indirect_vreg.gather [hbm4b:s2+s3], $0x80, v3, vm0, $0xb8;
	[tilespmem:$0x1A000] =	vst v63  }
0x32: {  	_ = 	snop  }
0x33: {  	[tilespmem:s26], [sflag:$0x1] =	stream.indirect_vreg.gather [hbm4b:s5+s3], $0x80, v3, vm0, $0xb8;
	[tilespmem:$0x1A000] =	vst v63  }
0x34: {  	_ = 	snop  }
0x35: {  	[tilespmem:s25], [sflag:$0x1] =	stream.indirect_vreg.gather [hbm4b:s6+s3], $0x80, v3, vm0, $0xb8;
	[tilespmem:$0x1A000] =	vst v63  }
0x36: {  	v3 =	vld [tilespmem:$0x10];
	_ =	sdelay $0x4  }
0x37: {  	v57 =	vshrl.u32 v3, $0x3  }
0x38: {  	v4 =	vmul.u32 $0x30, v57  }
0x39: {  	v3 =	vand.u32 $0x7, v3  }
0x3a: {  	v3 =	vor.u32 v3, v4  }
0x3b: {  	v4 =	vperm.xlane v3, v0;
	_ =	sdelay $0x1  }
0x3c: {  	v4 =	vadd.s32 v1, v4;
	_ =	sdelay $0x3  }
0x3d: {  	v3 =	vperm.xlane v3, v2  }
0x3e: {  	[tilespmem:s29], [sflag:$0x1] =	stream.indirect_vreg.gather [hbm4b:s2+s3], $0x80, v4, vm0, $0xb8;
	[tilespmem:$0x1A000] =	vst v63  }
0x3f: {  	v3 =	vadd.s32 v1, v3  }
0x40: {  	[tilespmem:s30], [sflag:$0x1] =	stream.indirect_vreg.gather [hbm4b:s5+s3], $0x80, v4, vm0, $0xb8;
	[tilespmem:$0x1A000] =	vst v63  }
0x41: {  	_ = 	snop  }
0x42: {  	[tilespmem:s0], [sflag:$0x1] =	stream.indirect_vreg.gather [hbm4b:s6+s3], $0x80, v4, vm0, $0xb8;
	[tilespmem:$0x1A000] =	vst v63  }
0x43: {  	_ = 	snop  }
0x44: {  	[tilespmem:s1], [sflag:$0x1] =	stream.indirect_vreg.gather [hbm4b:s2+s3], $0x80, v3, vm0, $0xb8;
	[tilespmem:$0x1A000] =	vst v63  }
0x45: {  	_ = 	snop  }
0x46: {  	[tilespmem:s4], [sflag:$0x1] =	stream.indirect_vreg.gather [hbm4b:s5+s3], $0x80, v3, vm0, $0xb8;
	[tilespmem:$0x1A000] =	vst v63  }
0x47: {  	_ = 	snop  }
0x48: {  	[tilespmem:s8], [sflag:$0x1] =	stream.indirect_vreg.gather [hbm4b:s6+s3], $0x80, v3, vm0, $0xb8;
	[tilespmem:$0x1A000] =	vst v63  }
0x49: {  	v3 =	vld [tilespmem:$0x80];
	_ =	sdelay $0x4  }
0x4a: {  	v58 =	vshrl.u32 v3, $0x3  }
0x4b: {  	v4 =	vmul.u32 $0x30, v58  }
0x4c: {  	v3 =	vand.u32 $0x7, v3  }
0x4d: {  	v3 =	vor.u32 v3, v4  }
0x4e: {  	v4 =	vperm.xlane v3, v0;
	_ =	sdelay $0x1  }
0x4f: {  	v4 =	vadd.s32 v1, v4;
	_ =	sdelay $0x3  }
0x50: {  	s1 =	simm.s32 $0x8000;
	v3 =	vperm.xlane v3, v2  }
0x51: {  	[tilespmem:s1], [sflag:$0x2] =	stream.indirect_vreg.gather [hbm4b:s2+s3], $0x80, v4, vm0, $0xb8;
	[tilespmem:$0x1A000] =	vst v63  }
0x52: {  	v3 =	vadd.s32 v1, v3  }
0x53: {  	[tilespmem:s7], [sflag:$0x2] =	stream.indirect_vreg.gather [hbm4b:s5+s3], $0x80, v4, vm0, $0xb8;
	[tilespmem:$0x1A000] =	vst v63  }
0x54: {  	_ = 	snop  }
0x55: {  	[tilespmem:s9], [sflag:$0x2] =	stream.indirect_vreg.gather [hbm4b:s6+s3], $0x80, v4, vm0, $0xb8;
	[tilespmem:$0x1A000] =	vst v63  }
0x56: {  	_ = 	snop  }
0x57: {  	[tilespmem:s13], [sflag:$0x2] =	stream.indirect_vreg.gather [hbm4b:s2+s3], $0x80, v3, vm0, $0xb8;
	[tilespmem:$0x1A000] =	vst v63  }
0x58: {  	_ = 	snop  }
0x59: {  	[tilespmem:s10], [sflag:$0x2] =	stream.indirect_vreg.gather [hbm4b:s5+s3], $0x80, v3, vm0, $0xb8;
	[tilespmem:$0x1A000] =	vst v63  }
0x5a: {  	s13 =	simm.s32 $0xA800  }
0x5b: {  	[tilespmem:s13], [sflag:$0x2] =	stream.indirect_vreg.gather [hbm4b:s6+s3], $0x80, v3, vm0, $0xb8;
	[tilespmem:$0x1A000] =	vst v63  }
0x5c: {  	v3 =	vld [tilespmem:$0x90];
	_ =	sdelay $0x4  }
0x5d: {  	v59 =	vshrl.u32 v3, $0x3  }
0x5e: {  	v4 =	vmul.u32 $0x30, v59  }
0x5f: {  	v3 =	vand.u32 $0x7, v3  }
0x60: {  	v3 =	vor.u32 v3, v4  }
0x61: {  	v4 =	vperm.xlane v3, v0;
	_ =	sdelay $0x1  }
0x62: {  	v4 =	vadd.s32 v1, v4;
	_ =	sdelay $0x3  }
0x63: {  	s19 =	simm.s32 $0xB000;
	v3 =	vperm.xlane v3, v2  }
0x64: {  	[tilespmem:s19], [sflag:$0x2] =	stream.indirect_vreg.gather [hbm4b:s2+s3], $0x80, v4, vm0, $0xb8;
	[tilespmem:$0x1A000] =	vst v63  }
0x65: {  	s20 =	simm.s32 $0xB800;
	v3 =	vadd.s32 v1, v3  }
0x66: {  	[tilespmem:s20], [sflag:$0x2] =	stream.indirect_vreg.gather [hbm4b:s5+s3], $0x80, v4, vm0, $0xb8;
	[tilespmem:$0x1A000] =	vst v63  }
0x67: {  	s25 =	simm.s32 $0xC000  }
0x68: {  	[tilespmem:s25], [sflag:$0x2] =	stream.indirect_vreg.gather [hbm4b:s6+s3], $0x80, v4, vm0, $0xb8;
	[tilespmem:$0x1A000] =	vst v63  }
0x69: {  	s26 =	simm.s32 $0xC800  }
0x6a: {  	[tilespmem:s26], [sflag:$0x2] =	stream.indirect_vreg.gather [hbm4b:s2+s3], $0x80, v3, vm0, $0xb8;
	[tilespmem:$0x1A000] =	vst v63  }
0x6b: {  	s30 =	simm.s32 $0xD000  }
0x6c: {  	[tilespmem:s30], [sflag:$0x2] =	stream.indirect_vreg.gather [hbm4b:s5+s3], $0x80, v3, vm0, $0xb8;
	[tilespmem:$0x1A000] =	vst v63  }
0x6d: {  	s4 =	simm.s32 $0xD800  }
0x6e: {  	[tilespmem:s4], [sflag:$0x2] =	stream.indirect_vreg.gather [hbm4b:s6+s3], $0x80, v3, vm0, $0xb8;
	[tilespmem:$0x1A000] =	vst v63  }
0x6f: {  	v3 =	vld [tilespmem:$0x100];
	_ =	sdelay $0x4  }
0x70: {  	v60 =	vshrl.u32 v3, $0x3  }
0x71: {  	v4 =	vmul.u32 $0x30, v60  }
0x72: {  	v3 =	vand.u32 $0x7, v3  }
0x73: {  	v3 =	vor.u32 v3, v4  }
0x74: {  	v4 =	vperm.xlane v3, v0;
	_ =	sdelay $0x1  }
0x75: {  	v4 =	vadd.s32 v1, v4;
	_ =	sdelay $0x3  }
0x76: {  	v3 =	vperm.xlane v3, v2  }
0x77: {  	[tilespmem:s28], [sflag:$0x3] =	stream.indirect_vreg.gather [hbm4b:s2+s3], $0x80, v4, vm0, $0xb8;
	[tilespmem:$0x1A000] =	vst v63  }
0x78: {  	s7 =	simm.s32 $0xE800;
	v3 =	vadd.s32 v1, v3  }
0x79: {  	[tilespmem:s7], [sflag:$0x3] =	stream.indirect_vreg.gather [hbm4b:s5+s3], $0x80, v4, vm0, $0xb8;
	[tilespmem:$0x1A000] =	vst v63  }
0x7a: {  	s8 =	simm.s32 $0xF000  }
0x7b: {  	[tilespmem:s8], [sflag:$0x3] =	stream.indirect_vreg.gather [hbm4b:s6+s3], $0x80, v4, vm0, $0xb8;
	[tilespmem:$0x1A000] =	vst v63  }
0x7c: {  	s9 =	simm.s32 $0xF800  }
0x7d: {  	[tilespmem:s9], [sflag:$0x3] =	stream.indirect_vreg.gather [hbm4b:s2+s3], $0x80, v3, vm0, $0xb8;
	[tilespmem:$0x1A000] =	vst v63  }
0x7e: {  	s10 =	simm.s32 $0x10000  }
0x7f: {  	[tilespmem:s10], [sflag:$0x3] =	stream.indirect_vreg.gather [hbm4b:s5+s3], $0x80, v3, vm0, $0xb8;
	[tilespmem:$0x1A000] =	vst v63  }
0x80: {  	s13 =	simm.s32 $0x10800  }
0x81: {  	[tilespmem:s13], [sflag:$0x3] =	stream.indirect_vreg.gather [hbm4b:s6+s3], $0x80, v3, vm0, $0xb8;
	[tilespmem:$0x1A000] =	vst v63  }
0x82: {  	v3 =	vld [tilespmem:$0x110];
	_ =	sdelay $0x4  }
0x83: {  	v61 =	vshrl.u32 v3, $0x3  }
0x84: {  	v4 =	vmul.u32 $0x30, v61  }
0x85: {  	v3 =	vand.u32 $0x7, v3  }
0x86: {  	v3 =	vor.u32 v3, v4  }
0x87: {  	v4 =	vperm.xlane v3, v0;
	_ =	sdelay $0x1  }
0x88: {  	v4 =	vadd.s32 v1, v4;
	_ =	sdelay $0x3  }
0x89: {  	s19 =	simm.s32 $0x11000;
	v3 =	vperm.xlane v3, v2  }
0x8a: {  	[tilespmem:s19], [sflag:$0x3] =	stream.indirect_vreg.gather [hbm4b:s2+s3], $0x80, v4, vm0, $0xb8;
	[tilespmem:$0x1A000] =	vst v63  }
0x8b: {  	s20 =	simm.s32 $0x11800;
	v3 =	vadd.s32 v1, v3  }
0x8c: {  	[tilespmem:s20], [sflag:$0x3] =	stream.indirect_vreg.gather [hbm4b:s5+s3], $0x80, v4, vm0, $0xb8;
	[tilespmem:$0x1A000] =	vst v63  }
0x8d: {  	s25 =	simm.s32 $0x12000  }
0x8e: {  	[tilespmem:s25], [sflag:$0x3] =	stream.indirect_vreg.gather [hbm4b:s6+s3], $0x80, v4, vm0, $0xb8;
	[tilespmem:$0x1A000] =	vst v63  }
0x8f: {  	s26 =	simm.s32 $0x12800  }
0x90: {  	[tilespmem:s26], [sflag:$0x3] =	stream.indirect_vreg.gather [hbm4b:s2+s3], $0x80, v3, vm0, $0xb8;
	[tilespmem:$0x1A000] =	vst v63  }
0x91: {  	s28 =	simm.s32 $0x13000  }
0x92: {  	[tilespmem:s28], [sflag:$0x3] =	stream.indirect_vreg.gather [hbm4b:s5+s3], $0x80, v3, vm0, $0xb8;
	[tilespmem:$0x1A000] =	vst v63  }
0x93: {  	s30 =	simm.s32 $0x13800  }
0x94: {  	[tilespmem:s30], [sflag:$0x3] =	stream.indirect_vreg.gather [hbm4b:s6+s3], $0x80, v3, vm0, $0xb8;
	[tilespmem:$0x1A000] =	vst v63  }
0x95: {  	_ =	swait.ge [sflag:s23], $0x6000  }
0x96: {  	[sflag:s23] =	ssyncset.done $0x0  }
0x97: {  	s0 =	rddreg [dreg:$0x8];
	[sflag:s23] =	ssyncadd.s32 $0xFFFFA000  }
0x98: {  	[hbm4b:s0+s3] =	stream.linear.scatter [tilespmem:s31], [sflag:$0x5], $0x6000, $0x38;
	[tilespmem:$0x1A000] =	vst v63  }
0x99: {  	v3 =	vld [tilespmem:$0x180];
	_ =	sdelay $0x4  }
0x9a: {  	v62 =	vshrl.u32 v3, $0x3  }
0x9b: {  	v4 =	vmul.u32 $0x30, v62  }
0x9c: {  	v3 =	vand.u32 $0x7, v3  }
0x9d: {  	v3 =	vor.u32 v3, v4  }
0x9e: {  	v4 =	vperm.xlane v3, v0;
	_ =	sdelay $0x1  }
0x9f: {  	v4 =	vadd.s32 v1, v4;
	_ =	sdelay $0x3  }
0xa0: {  	v3 =	vperm.xlane v3, v2  }
0xa1: {  	[tilespmem:s24], [sflag:$0x4] =	stream.indirect_vreg.gather [hbm4b:s2+s3], $0x80, v4, vm0, $0xb8;
	[tilespmem:$0x1A000] =	vst v63  }
0xa2: {  	s4 =	simm.s32 $0x14800;
	v3 =	vadd.s32 v1, v3  }
0xa3: {  	[tilespmem:s4], [sflag:$0x4] =	stream.indirect_vreg.gather [hbm4b:s5+s3], $0x80, v4, vm0, $0xb8;
	[tilespmem:$0x1A000] =	vst v63  }
0xa4: {  	s7 =	simm.s32 $0x15000  }
0xa5: {  	[tilespmem:s7], [sflag:$0x4] =	stream.indirect_vreg.gather [hbm4b:s6+s3], $0x80, v4, vm0, $0xb8;
	[tilespmem:$0x1A000] =	vst v63  }
0xa6: {  	s8 =	simm.s32 $0x15800  }
0xa7: {  	[tilespmem:s8], [sflag:$0x4] =	stream.indirect_vreg.gather [hbm4b:s2+s3], $0x80, v3, vm0, $0xb8;
	[tilespmem:$0x1A000] =	vst v63  }
0xa8: {  	s9 =	simm.s32 $0x16000  }
0xa9: {  	[tilespmem:s9], [sflag:$0x4] =	stream.indirect_vreg.gather [hbm4b:s5+s3], $0x80, v3, vm0, $0xb8;
	[tilespmem:$0x1A000] =	vst v63  }
0xaa: {  	s10 =	simm.s32 $0x16800  }
0xab: {  	[tilespmem:s10], [sflag:$0x4] =	stream.indirect_vreg.gather [hbm4b:s6+s3], $0x80, v3, vm0, $0xb8;
	[tilespmem:$0x1A000] =	vst v63  }
0xac: {  	v3 =	vld [tilespmem:$0x190];
	_ =	sdelay $0x4  }
0xad: {  	v63 =	vshrl.u32 v3, $0x3  }
0xae: {  	v4 =	vmul.u32 $0x30, v63  }
0xaf: {  	v3 =	vand.u32 $0x7, v3  }
0xb0: {  	v3 =	vor.u32 v3, v4  }
0xb1: {  	v4 =	vperm.xlane v3, v0;
	_ =	sdelay $0x1  }
0xb2: {  	v4 =	vadd.s32 v1, v4;
	_ =	sdelay $0x3  }
0xb3: {  	s13 =	simm.s32 $0x17000;
	v3 =	vperm.xlane v3, v2  }
0xb4: {  	[tilespmem:s13], [sflag:$0x4] =	stream.indirect_vreg.gather [hbm4b:s2+s3], $0x80, v4, vm0, $0xb8;
	[tilespmem:$0x1A000] =	vst v63  }
0xb5: {  	s19 =	simm.s32 $0x17800;
	v3 =	vadd.s32 v1, v3  }
0xb6: {  	[tilespmem:s19], [sflag:$0x4] =	stream.indirect_vreg.gather [hbm4b:s5+s3], $0x80, v4, vm0, $0xb8;
	[tilespmem:$0x1A000] =	vst v63  }
0xb7: {  	s20 =	simm.s32 $0x18000  }
0xb8: {  	[tilespmem:s20], [sflag:$0x4] =	stream.indirect_vreg.gather [hbm4b:s6+s3], $0x80, v4, vm0, $0xb8;
	[tilespmem:$0x1A000] =	vst v63  }
0xb9: {  	s29 =	simm.s32 $0x4800;
	s25 =	simm.s32 $0x18800;
	s26 =	simm.s32 $0x19000  }
0xba: {  	[tilespmem:s25], [sflag:$0x4] =	stream.indirect_vreg.gather [hbm4b:s2+s3], $0x80, v3, vm0, $0xb8;
	[tilespmem:$0x1A000] =	vst v63  }
0xbb: {  	s28 =	simm.s32 $0x19800;
	s0 =	simm.s32 $0xA000;
	s31 =	simm.s32 $0x5800  }
0xbc: {  	[tilespmem:s26], [sflag:$0x4] =	stream.indirect_vreg.gather [hbm4b:s5+s3], $0x80, v3, vm0, $0xb8;
	[tilespmem:$0x1A000] =	vst v63  }
0xbd: {  	s4 =	simm.s32 $0x7000;
	s7 =	simm.s32 $0x8800;
	s8 =	simm.s32 $0x7800  }
0xbe: {  	[tilespmem:s28], [sflag:$0x4] =	stream.indirect_vreg.gather [hbm4b:s6+s3], $0x80, v3, vm0, $0xb8;
	[tilespmem:$0x1A000] =	vst v63  }
0xbf: {  	s9 =	simm.s32 $0x9000;
	s10 =	simm.s32 $0x8000;
	_ =	swait.ge [sflag:s11], $0x6000  }
0xc0: {  	s13 =	simm.s32 $0x9800;
	s19 =	simm.s32 $0x390;
	[sflag:s11] =	ssyncset.done $0x0  }
0xc1: {  	s20 =	simm.s32 $0x0;
	s30 =	rddreg [dreg:$0x9];
	[sflag:s11] =	ssyncadd.s32 $0xFFFFA000  }
0xc2: {  	[hbm4b:s30+s3] =	stream.linear.scatter [tilespmem:s1], [sflag:$0x6], $0x6000, $0x38;
	[tilespmem:$0x1A000] =	vst v63  }
0xc3: {  	s25 =	simm.s32 $0x2000;
	s26 =	simm.s32 $0x3800;
	s1 =	simm.s32 $0x6800  }
.LBB2_2:
0xc4: {  	_ =	swait.ge [sflag:s12], $0x6000  }
0xc5: {  	[sflag:s12] =	ssyncset.done $0x0  }
0xc6: {  	[sflag:s12] =	ssyncadd.s32 $0xFFFFA000  }
0xc7: {  	v3 =	vld [tilespmem:s19+$0xFFFFFE70];
	_ =	sdelay $0x4  }
0xc8: {  	v4 =	vshrl.u32 v3, $0x3  }
0xc9: {  	v4 =	vmul.u32 $0x30, v4  }
0xca: {  	v3 =	vand.u32 $0x7, v3  }
0xcb: {  	v3 =	vor.u32 v3, v4  }
0xcc: {  	v4 =	vperm.xlane v3, v0;
	_ =	sdelay $0x1  }
0xcd: {  	v4 =	vadd.s32 v1, v4;
	_ =	sdelay $0x3  }
0xce: {  	v3 =	vperm.xlane v3, v2  }
0xcf: {  	[tilespmem:s25], [sflag:$0x1] =	stream.indirect_vreg.gather [hbm4b:s2+s3], $0x80, v4, vm0, $0xb8;
	[tilespmem:$0x1A000] =	vst v63  }
0xd0: {  	v3 =	vadd.s32 v1, v3  }
0xd1: {  	[tilespmem:s21], [sflag:$0x1] =	stream.indirect_vreg.gather [hbm4b:s5+s3], $0x80, v4, vm0, $0xb8;
	[tilespmem:$0x1A000] =	vst v63  }
0xd2: {  	_ = 	snop  }
0xd3: {  	[tilespmem:s22], [sflag:$0x1] =	stream.indirect_vreg.gather [hbm4b:s6+s3], $0x80, v4, vm0, $0xb8;
	[tilespmem:$0x1A000] =	vst v63  }
0xd4: {  	_ = 	snop  }
0xd5: {  	[tilespmem:s26], [sflag:$0x1] =	stream.indirect_vreg.gather [hbm4b:s2+s3], $0x80, v3, vm0, $0xb8;
	[tilespmem:$0x1A000] =	vst v63  }
0xd6: {  	s30 =	simm.s32 $0x4000  }
0xd7: {  	[tilespmem:s30], [sflag:$0x1] =	stream.indirect_vreg.gather [hbm4b:s5+s3], $0x80, v3, vm0, $0xb8;
	[tilespmem:$0x1A000] =	vst v63  }
0xd8: {  	_ = 	snop  }
0xd9: {  	[tilespmem:s29], [sflag:$0x1] =	stream.indirect_vreg.gather [hbm4b:s6+s3], $0x80, v3, vm0, $0xb8;
	[tilespmem:$0x1A000] =	vst v63  }
0xda: {  	v3 =	vld [tilespmem:s19+$0xFFFFFE80];
	_ =	sdelay $0x4  }
0xdb: {  	v57 =	vshrl.u32 v3, $0x3  }
0xdc: {  	v4 =	vmul.u32 $0x30, v57  }
0xdd: {  	v3 =	vand.u32 $0x7, v3  }
0xde: {  	v3 =	vor.u32 v3, v4  }
0xdf: {  	v4 =	vperm.xlane v3, v0;
	_ =	sdelay $0x1  }
0xe0: {  	v4 =	vadd.s32 v1, v4;
	_ =	sdelay $0x3  }
0xe1: {  	s22 =	simm.s32 $0x5000;
	v3 =	vperm.xlane v3, v2  }
0xe2: {  	[tilespmem:s22], [sflag:$0x1] =	stream.indirect_vreg.gather [hbm4b:s2+s3], $0x80, v4, vm0, $0xb8;
	[tilespmem:$0x1A000] =	vst v63  }
0xe3: {  	v3 =	vadd.s32 v1, v3  }
0xe4: {  	[tilespmem:s31], [sflag:$0x1] =	stream.indirect_vreg.gather [hbm4b:s5+s3], $0x80, v4, vm0, $0xb8;
	[tilespmem:$0x1A000] =	vst v63  }
0xe5: {  	s30 =	simm.s32 $0x6000  }
0xe6: {  	[tilespmem:s30], [sflag:$0x1] =	stream.indirect_vreg.gather [hbm4b:s6+s3], $0x80, v4, vm0, $0xb8;
	[tilespmem:$0x1A000] =	vst v63  }
0xe7: {  	_ = 	snop  }
0xe8: {  	[tilespmem:s1], [sflag:$0x1] =	stream.indirect_vreg.gather [hbm4b:s2+s3], $0x80, v3, vm0, $0xb8;
	[tilespmem:$0x1A000] =	vst v63  }
0xe9: {  	_ = 	snop  }
0xea: {  	[tilespmem:s4], [sflag:$0x1] =	stream.indirect_vreg.gather [hbm4b:s5+s3], $0x80, v3, vm0, $0xb8;
	[tilespmem:$0x1A000] =	vst v63  }
0xeb: {  	_ = 	snop  }
0xec: {  	[tilespmem:s8], [sflag:$0x1] =	stream.indirect_vreg.gather [hbm4b:s6+s3], $0x80, v3, vm0, $0xb8;
	[tilespmem:$0x1A000] =	vst v63  }
0xed: {  	_ =	swait.ge [sflag:s14], $0x6000  }
0xee: {  	s22 =	rddreg [dreg:$0x6]  }
0xef: {  	[sflag:s14] =	ssyncset.done $0x0;
	s21 =	sadd.s32 s20, s22  }
0xf0: {  	s30 =	simm.s32 $0xE000;
	[sflag:s14] =	ssyncadd.s32 $0xFFFFA000;
	s22 =	sadd.s32 $0x1800, s21  }
0xf1: {  	[hbm4b:s22+s3] =	stream.linear.scatter [tilespmem:s30], [sflag:$0x7], $0x6000, $0x38;
	[tilespmem:$0x1A000] =	vst v63  }
0xf2: {  	_ =	swait.ge [sflag:s15], $0x6000  }
0xf3: {  	[sflag:s15] =	ssyncset.done $0x0  }
0xf4: {  	[sflag:s15] =	ssyncadd.s32 $0xFFFFA000  }
0xf5: {  	v3 =	vld [tilespmem:s19+$0xFFFFFEF0];
	_ =	sdelay $0x4  }
0xf6: {  	v58 =	vshrl.u32 v3, $0x3  }
0xf7: {  	v4 =	vmul.u32 $0x30, v58  }
0xf8: {  	v3 =	vand.u32 $0x7, v3  }
0xf9: {  	v3 =	vor.u32 v3, v4  }
0xfa: {  	v4 =	vperm.xlane v3, v0;
	_ =	sdelay $0x1  }
0xfb: {  	v4 =	vadd.s32 v1, v4;
	_ =	sdelay $0x3  }
0xfc: {  	v3 =	vperm.xlane v3, v2  }
0xfd: {  	[tilespmem:s10], [sflag:$0x2] =	stream.indirect_vreg.gather [hbm4b:s2+s3], $0x80, v4, vm0, $0xb8;
	[tilespmem:$0x1A000] =	vst v63  }
0xfe: {  	v3 =	vadd.s32 v1, v3  }
0xff: {  	[tilespmem:s7], [sflag:$0x2] =	stream.indirect_vreg.gather [hbm4b:s5+s3], $0x80, v4, vm0, $0xb8;
	[tilespmem:$0x1A000] =	vst v63  }
0x100: {  	_ = 	snop  }
0x101: {  	[tilespmem:s9], [sflag:$0x2] =	stream.indirect_vreg.gather [hbm4b:s6+s3], $0x80, v4, vm0, $0xb8;
	[tilespmem:$0x1A000] =	vst v63  }
0x102: {  	_ = 	snop  }
0x103: {  	[tilespmem:s13], [sflag:$0x2] =	stream.indirect_vreg.gather [hbm4b:s2+s3], $0x80, v3, vm0, $0xb8;
	[tilespmem:$0x1A000] =	vst v63  }
0x104: {  	_ = 	snop  }
0x105: {  	[tilespmem:s0], [sflag:$0x2] =	stream.indirect_vreg.gather [hbm4b:s5+s3], $0x80, v3, vm0, $0xb8;
	[tilespmem:$0x1A000] =	vst v63  }
0x106: {  	s28 =	simm.s32 $0xA800  }
0x107: {  	[tilespmem:s28], [sflag:$0x2] =	stream.indirect_vreg.gather [hbm4b:s6+s3], $0x80, v3, vm0, $0xb8;
	[tilespmem:$0x1A000] =	vst v63  }
0x108: {  	v3 =	vld [tilespmem:s19+$0xFFFFFF00];
	_ =	sdelay $0x4  }
0x109: {  	v59 =	vshrl.u32 v3, $0x3  }
0x10a: {  	v4 =	vmul.u32 $0x30, v59  }
0x10b: {  	v3 =	vand.u32 $0x7, v3  }
0x10c: {  	v3 =	vor.u32 v3, v4  }
0x10d: {  	v4 =	vperm.xlane v3, v0;
	_ =	sdelay $0x1  }
0x10e: {  	v4 =	vadd.s32 v1, v4;
	_ =	sdelay $0x3  }
0x10f: {  	s28 =	simm.s32 $0xB000;
	v3 =	vperm.xlane v3, v2  }
0x110: {  	[tilespmem:s28], [sflag:$0x2] =	stream.indirect_vreg.gather [hbm4b:s2+s3], $0x80, v4, vm0, $0xb8;
	[tilespmem:$0x1A000] =	vst v63  }
0x111: {  	v3 =	vadd.s32 v1, v3;
	s28 =	simm.s32 $0xB800  }
0x112: {  	[tilespmem:s28], [sflag:$0x2] =	stream.indirect_vreg.gather [hbm4b:s5+s3], $0x80, v4, vm0, $0xb8;
	[tilespmem:$0x1A000] =	vst v63  }
0x113: {  	s28 =	simm.s32 $0xC000  }
0x114: {  	[tilespmem:s28], [sflag:$0x2] =	stream.indirect_vreg.gather [hbm4b:s6+s3], $0x80, v4, vm0, $0xb8;
	[tilespmem:$0x1A000] =	vst v63  }
0x115: {  	s28 =	simm.s32 $0xC800  }
0x116: {  	[tilespmem:s28], [sflag:$0x2] =	stream.indirect_vreg.gather [hbm4b:s2+s3], $0x80, v3, vm0, $0xb8;
	[tilespmem:$0x1A000] =	vst v63  }
0x117: {  	s28 =	simm.s32 $0xD000  }
0x118: {  	[tilespmem:s28], [sflag:$0x2] =	stream.indirect_vreg.gather [hbm4b:s5+s3], $0x80, v3, vm0, $0xb8;
	[tilespmem:$0x1A000] =	vst v63  }
0x119: {  	s28 =	simm.s32 $0xD800  }
0x11a: {  	[tilespmem:s28], [sflag:$0x2] =	stream.indirect_vreg.gather [hbm4b:s6+s3], $0x80, v3, vm0, $0xb8;
	[tilespmem:$0x1A000] =	vst v63  }
0x11b: {  	_ =	swait.ge [sflag:s16], $0x6000  }
0x11c: {  	[sflag:s16] =	ssyncset.done $0x0  }
0x11d: {  	s21 =	sadd.s32 $0x2400, s21;
	[sflag:s16] =	ssyncadd.s32 $0xFFFFA000  }
0x11e: {  	[hbm4b:s21+s3] =	stream.linear.scatter [tilespmem:s24], [sflag:$0x8], $0x6000, $0x38;
	[tilespmem:$0x1A000] =	vst v63  }
0x11f: {  	_ =	swait.ge [sflag:s17], $0x6000  }
0x120: {  	[sflag:s17] =	ssyncset.done $0x0  }
0x121: {  	[sflag:s17] =	ssyncadd.s32 $0xFFFFA000  }
0x122: {  	v3 =	vld [tilespmem:s19+$0xFFFFFF70];
	_ =	sdelay $0x4  }
0x123: {  	v60 =	vshrl.u32 v3, $0x3  }
0x124: {  	v4 =	vmul.u32 $0x30, v60  }
0x125: {  	v3 =	vand.u32 $0x7, v3  }
0x126: {  	v3 =	vor.u32 v3, v4  }
0x127: {  	v4 =	vperm.xlane v3, v0;
	_ =	sdelay $0x1  }
0x128: {  	v4 =	vadd.s32 v1, v4;
	_ =	sdelay $0x3  }
0x129: {  	v3 =	vperm.xlane v3, v2  }
0x12a: {  	[tilespmem:s30], [sflag:$0x3] =	stream.indirect_vreg.gather [hbm4b:s2+s3], $0x80, v4, vm0, $0xb8;
	[tilespmem:$0x1A000] =	vst v63  }
0x12b: {  	v3 =	vadd.s32 v1, v3;
	s30 =	simm.s32 $0xE800  }
0x12c: {  	[tilespmem:s30], [sflag:$0x3] =	stream.indirect_vreg.gather [hbm4b:s5+s3], $0x80, v4, vm0, $0xb8;
	[tilespmem:$0x1A000] =	vst v63  }
0x12d: {  	s30 =	simm.s32 $0xF000  }
0x12e: {  	[tilespmem:s30], [sflag:$0x3] =	stream.indirect_vreg.gather [hbm4b:s6+s3], $0x80, v4, vm0, $0xb8;
	[tilespmem:$0x1A000] =	vst v63  }
0x12f: {  	s30 =	simm.s32 $0xF800  }
0x130: {  	[tilespmem:s30], [sflag:$0x3] =	stream.indirect_vreg.gather [hbm4b:s2+s3], $0x80, v3, vm0, $0xb8;
	[tilespmem:$0x1A000] =	vst v63  }
0x131: {  	s30 =	simm.s32 $0x10000  }
0x132: {  	[tilespmem:s30], [sflag:$0x3] =	stream.indirect_vreg.gather [hbm4b:s5+s3], $0x80, v3, vm0, $0xb8;
	[tilespmem:$0x1A000] =	vst v63  }
0x133: {  	s30 =	simm.s32 $0x10800  }
0x134: {  	[tilespmem:s30], [sflag:$0x3] =	stream.indirect_vreg.gather [hbm4b:s6+s3], $0x80, v3, vm0, $0xb8;
	[tilespmem:$0x1A000] =	vst v63  }
0x135: {  	v3 =	vld [tilespmem:s19+$0xFFFFFF80];
	_ =	sdelay $0x4  }
0x136: {  	v61 =	vshrl.u32 v3, $0x3  }
0x137: {  	v4 =	vmul.u32 $0x30, v61  }
0x138: {  	v3 =	vand.u32 $0x7, v3  }
0x139: {  	v3 =	vor.u32 v3, v4  }
0x13a: {  	v4 =	vperm.xlane v3, v0;
	_ =	sdelay $0x1  }
0x13b: {  	v4 =	vadd.s32 v1, v4;
	_ =	sdelay $0x3  }
0x13c: {  	s30 =	simm.s32 $0x11000;
	v3 =	vperm.xlane v3, v2  }
0x13d: {  	[tilespmem:s30], [sflag:$0x3] =	stream.indirect_vreg.gather [hbm4b:s2+s3], $0x80, v4, vm0, $0xb8;
	[tilespmem:$0x1A000] =	vst v63  }
0x13e: {  	v3 =	vadd.s32 v1, v3;
	s30 =	simm.s32 $0x11800  }
0x13f: {  	[tilespmem:s30], [sflag:$0x3] =	stream.indirect_vreg.gather [hbm4b:s5+s3], $0x80, v4, vm0, $0xb8;
	[tilespmem:$0x1A000] =	vst v63  }
0x140: {  	s30 =	simm.s32 $0x12000  }
0x141: {  	[tilespmem:s30], [sflag:$0x3] =	stream.indirect_vreg.gather [hbm4b:s6+s3], $0x80, v4, vm0, $0xb8;
	[tilespmem:$0x1A000] =	vst v63  }
0x142: {  	s30 =	simm.s32 $0x12800  }
0x143: {  	[tilespmem:s30], [sflag:$0x3] =	stream.indirect_vreg.gather [hbm4b:s2+s3], $0x80, v3, vm0, $0xb8;
	[tilespmem:$0x1A000] =	vst v63  }
0x144: {  	s30 =	simm.s32 $0x13000  }
0x145: {  	[tilespmem:s30], [sflag:$0x3] =	stream.indirect_vreg.gather [hbm4b:s5+s3], $0x80, v3, vm0, $0xb8;
	[tilespmem:$0x1A000] =	vst v63  }
0x146: {  	s30 =	simm.s32 $0x13800  }
0x147: {  	[tilespmem:s30], [sflag:$0x3] =	stream.indirect_vreg.gather [hbm4b:s6+s3], $0x80, v3, vm0, $0xb8;
	[tilespmem:$0x1A000] =	vst v63  }
0x148: {  	_ =	swait.ge [sflag:s23], $0x6000  }
0x149: {  	s30 =	rddreg [dreg:$0x5];
	[sflag:s23] =	ssyncset.done $0x0  }
0x14a: {  	[sflag:s23] =	ssyncadd.s32 $0xFFFFA000;
	s21 =	sadd.s32 s20, s30  }
0x14b: {  	[hbm4b:s21+s3] =	stream.linear.scatter [tilespmem:s25], [sflag:$0x5], $0x6000, $0x38;
	[tilespmem:$0x1A000] =	vst v63  }
0x14c: {  	_ =	swait.ge [sflag:s18], $0x6000  }
0x14d: {  	[sflag:s18] =	ssyncset.done $0x0  }
0x14e: {  	[sflag:s18] =	ssyncadd.s32 $0xFFFFA000  }
0x14f: {  	v3 =	vld [tilespmem:s19+$0xFFFFFFF0];
	_ =	sdelay $0x4  }
0x150: {  	v62 =	vshrl.u32 v3, $0x3  }
0x151: {  	v4 =	vmul.u32 $0x30, v62  }
0x152: {  	v3 =	vand.u32 $0x7, v3  }
0x153: {  	v3 =	vor.u32 v3, v4  }
0x154: {  	v4 =	vperm.xlane v3, v0;
	_ =	sdelay $0x1  }
0x155: {  	v4 =	vadd.s32 v1, v4;
	_ =	sdelay $0x3  }
0x156: {  	v3 =	vperm.xlane v3, v2  }
0x157: {  	[tilespmem:s24], [sflag:$0x4] =	stream.indirect_vreg.gather [hbm4b:s2+s3], $0x80, v4, vm0, $0xb8;
	[tilespmem:$0x1A000] =	vst v63  }
0x158: {  	s30 =	simm.s32 $0x14800;
	v3 =	vadd.s32 v1, v3  }
0x159: {  	[tilespmem:s30], [sflag:$0x4] =	stream.indirect_vreg.gather [hbm4b:s5+s3], $0x80, v4, vm0, $0xb8;
	[tilespmem:$0x1A000] =	vst v63  }
0x15a: {  	s30 =	simm.s32 $0x15000  }
0x15b: {  	[tilespmem:s30], [sflag:$0x4] =	stream.indirect_vreg.gather [hbm4b:s6+s3], $0x80, v4, vm0, $0xb8;
	[tilespmem:$0x1A000] =	vst v63  }
0x15c: {  	s30 =	simm.s32 $0x15800  }
0x15d: {  	[tilespmem:s30], [sflag:$0x4] =	stream.indirect_vreg.gather [hbm4b:s2+s3], $0x80, v3, vm0, $0xb8;
	[tilespmem:$0x1A000] =	vst v63  }
0x15e: {  	s30 =	simm.s32 $0x16000  }
0x15f: {  	[tilespmem:s30], [sflag:$0x4] =	stream.indirect_vreg.gather [hbm4b:s5+s3], $0x80, v3, vm0, $0xb8;
	[tilespmem:$0x1A000] =	vst v63  }
0x160: {  	s30 =	simm.s32 $0x16800  }
0x161: {  	[tilespmem:s30], [sflag:$0x4] =	stream.indirect_vreg.gather [hbm4b:s6+s3], $0x80, v3, vm0, $0xb8;
	[tilespmem:$0x1A000] =	vst v63  }
0x162: {  	v3 =	vld [tilespmem:s19+$0x0];
	_ =	sdelay $0x4  }
0x163: {  	v63 =	vshrl.u32 v3, $0x3  }
0x164: {  	v4 =	vmul.u32 $0x30, v63  }
0x165: {  	v3 =	vand.u32 $0x7, v3  }
0x166: {  	v3 =	vor.u32 v3, v4  }
0x167: {  	v4 =	vperm.xlane v3, v0;
	_ =	sdelay $0x1  }
0x168: {  	v4 =	vadd.s32 v1, v4;
	_ =	sdelay $0x3  }
0x169: {  	s30 =	simm.s32 $0x17000;
	v3 =	vperm.xlane v3, v2  }
0x16a: {  	[tilespmem:s30], [sflag:$0x4] =	stream.indirect_vreg.gather [hbm4b:s2+s3], $0x80, v4, vm0, $0xb8;
	[tilespmem:$0x1A000] =	vst v63  }
0x16b: {  	v3 =	vadd.s32 v1, v3;
	s30 =	simm.s32 $0x17800  }
0x16c: {  	[tilespmem:s30], [sflag:$0x4] =	stream.indirect_vreg.gather [hbm4b:s5+s3], $0x80, v4, vm0, $0xb8;
	[tilespmem:$0x1A000] =	vst v63  }
0x16d: {  	s30 =	simm.s32 $0x18000  }
0x16e: {  	[tilespmem:s30], [sflag:$0x4] =	stream.indirect_vreg.gather [hbm4b:s6+s3], $0x80, v4, vm0, $0xb8;
	[tilespmem:$0x1A000] =	vst v63  }
0x16f: {  	s30 =	simm.s32 $0x18800  }
0x170: {  	[tilespmem:s30], [sflag:$0x4] =	stream.indirect_vreg.gather [hbm4b:s2+s3], $0x80, v3, vm0, $0xb8;
	[tilespmem:$0x1A000] =	vst v63  }
0x171: {  	s30 =	simm.s32 $0x19000  }
0x172: {  	[tilespmem:s30], [sflag:$0x4] =	stream.indirect_vreg.gather [hbm4b:s5+s3], $0x80, v3, vm0, $0xb8;
	[tilespmem:$0x1A000] =	vst v63  }
0x173: {  	p0 =	sne.s32 s20, $0x2A000;
	s30 =	simm.s32 $0x19800  }
0x174: {  	[tilespmem:s30], [sflag:$0x4] =	stream.indirect_vreg.gather [hbm4b:s6+s3], $0x80, v3, vm0, $0xb8;
	[tilespmem:$0x1A000] =	vst v63  }
.Ltmp0:
0x175: {  	_ =	swait.ge [sflag:s11], $0x6000;
	(pc) =	sbr.rel @p0 .LBB2_2-.Ltmp0, $4  }
0x176: {  	s22 =	simm.s32 $0x3000;
	s30 =	rddreg [dreg:$0x4];
	[sflag:s11] =	ssyncset.done $0x0  }
0x177: {  	s28 =	simm.s32 $0xE000;
	[sflag:s11] =	ssyncadd.s32 $0xFFFFA000;
	s21 =	sadd.s32 s20, s30  }
0x178: {  	[hbm4b:s21+s3] =	stream.linear.scatter [tilespmem:s10], [sflag:$0x6], $0x6000, $0x38;
	[tilespmem:$0x1A000] =	vst v63  }
0x179: {  	s19 =	sadd.s32 $0x200, s19;
	s20 =	sadd.s32 $0x3000, s20;
	s21 =	simm.s32 $0x2800  }
0x17a: {  	_ =	swait.ge [sflag:s14], $0x6000  }
0x17b: {  	[sflag:s14] =	ssyncset.done $0x0  }
0x17c: {  	s19 =	rddreg [dreg:$0xa];
	[sflag:s14] =	ssyncadd.s32 $0xFFFFA000  }
0x17d: {  	[hbm4b:s19+s3] =	stream.linear.scatter [tilespmem:s28], [sflag:$0x7], $0x6000, $0x38;
	[tilespmem:$0x1A000] =	vst v63  }
0x17e: {  	_ =	swait.ge [sflag:s16], $0x6000  }
0x17f: {  	[sflag:s16] =	ssyncset.done $0x0  }
0x180: {  	s25 =	rddreg [dreg:$0xb];
	[sflag:s16] =	ssyncadd.s32 $0xFFFFA000  }
0x181: {  	[hbm4b:s25+s3] =	stream.linear.scatter [tilespmem:s24], [sflag:$0x8], $0x6000, $0x38;
	[tilespmem:$0x1A000] =	vst v63  }
0x182: {  	_ =	swait.ge [sflag:s12], $0x6000  }
0x183: {  	[sflag:s12] =	ssyncset.done $0x0  }
0x184: {  	[sflag:s12] =	ssyncadd.s32 $0xFFFFA000  }
0x185: {  	_ =	swait.ge [sflag:s15], $0x6000  }
0x186: {  	[sflag:s15] =	ssyncset.done $0x0  }
0x187: {  	[sflag:s15] =	ssyncadd.s32 $0xFFFFA000  }
0x188: {  	_ =	swait.ge [sflag:s17], $0x6000  }
0x189: {  	[sflag:s17] =	ssyncset.done $0x0  }
0x18a: {  	[sflag:s17] =	ssyncadd.s32 $0xFFFFA000  }
0x18b: {  	_ =	swait.ge [sflag:s18], $0x6000  }
0x18c: {  	s0 =	rddreg [dreg:$0xd]  }
0x18d: {  	s20 =	simm.s32 $0x3800;
	s26 =	rddreg [dreg:$0xc];
	s0 =	sadd.s32 $0x1, s0  }
0x18e: {  	s29 =	simm.s32 $0x5000;
	s30 =	simm.s32 $0x5800;
	p0 =	sne.s32 s0, s26  }
.Ltmp1:
0x18f: {  	s1 =	simm.s32 $0x6800;
	s4 =	simm.s32 $0x7000;
	(pc) =	sbr.rel @p0 .LBB2_1-.Ltmp1, $4  }
0x190: {  	s8 =	simm.s32 $0x7800;
	s7 =	simm.s32 $0x8800;
	s9 =	simm.s32 $0x9000  }
0x191: {  	s13 =	simm.s32 $0x9800;
	s31 =	simm.s32 $0x2000;
	[sflag:s18] =	ssyncset.done $0x0  }
0x192: {  	s10 =	simm.s32 $0xA000;
	s25 =	simm.s32 $0x4800;
	[sflag:s18] =	ssyncadd.s32 $0xFFFFA000  }
0x193: {  	[dreg:$0xd] =	wrdreg s0;
	s26 =	simm.s32 $0x4000;
	s0 =	simm.s32 $0x6000  }
0x194: {  	_ =	sfence.sel $0x180000  }
0x195: {  	[bflag:$0x0] =	sbarrier.arrive $0xFFFF  }
0x196: {  	_ =	strace $0x90000047  }
0x197: {  	s0 =	stileid.u32;
	[bflag:$0x2] =	sbarrier.arrive $0xFFFF  }
0x198: {  	p0 =	sne.s32 s0, $0x0;
	s0 =	rddreg [dreg:$0x3]  }
0x199: {  	s0 =	sadd.s32 @!p0 $0x100000, s0  }
0x19a: {  	[sflag:s0] =	ssyncadd.tile.s32 @!p0 $0x1;
	_ =	shalt  }
.Lfunc_end2:
_tile_overlayer_lowered:
.L_overlay_start_2:
0x19b: {  	(tag) =	ssettag $0x2  }
0x19c: {  	s0 =	rddreg [dreg:$0x0];
	s2 =	stileid.u32  }
0x19d: {  	s1 =	rddreg [dreg:$0x1];
	p0 =	sne.s32 s2, $0x0  }
0x19e: {  	s3 =	rddreg [dreg:$0x2];
	[bflag:$0x3] =	sbarrier.arrive $0xFFFF;
	s2 =	simm.s32 @!p0 $0x1C09  }
0x19f: {  	[timem:s3], [sflag:s2] =	dma.local @!p0 [hbm:s0], s1  }
0x1a0: {  	s0 =	simm.s32 @!p0 $0x9  }
0x1a1: {  	_ =	swait.ge @!p0 [sflag:s0], s1  }
0x1a2: {  	s1 =	ssub.s32 @!p0 $0x0, s1;
	[sflag:s0] =	ssyncset.done @!p0 $0x0  }
0x1a3: {  	[sflag:s0] =	ssyncadd.s32 @!p0 s1  }
0x1a4: {  	[bflag:$0x3] =	sbarrier.arrive $0xFFFF  }
0x1a5: {  	_ =	shalt  }

</sc_bundles>
